<compile_context>
chip_gen: v7x
topology: tpu7x:2x2x1
jax: 0.10.2.dev20260603
libtpu: 0.0.44.dev20260713+nightly
codegen_flags: <defaults>
</compile_context>

<pallas_src>
import jax
import jax.numpy as jnp
from jax import lax
from jax.experimental import pallas as pl
from jax.experimental.pallas import tpu as pltpu
from jax.experimental.pallas import tpu_sc as plsc

_START = 126
_STOP = 127
_LN2 = 0.6931471805599453
_SHIFT = 6.0


def _gold_sc_body(feat_hbm, trans_hbm, len_hbm, tags_hbm, out_hbm,
                  tags_v, len_v, fidx, tidx, fval, tval, obuf, sem):
    c = lax.axis_index("c")
    s = lax.axis_index("s")
    wid = s * 2 + c
    b = wid // 2
    h = wid % 2
    cp_t = pltpu.async_copy(tags_hbm.at[b], tags_v, sem)
    cp_l = pltpu.async_copy(len_hbm, len_v.at[pl.ds(0, 16)], sem)
    cp_t.wait()
    cp_l.wait()

    i32 = jnp.int32
    iota = lax.iota(i32, 16)
    bvec = jnp.zeros((16,), i32) + b
    shift_idx = jnp.maximum(iota - 1, 0)
    lenb = len_v[pl.ds(0, 16)].at[bvec].get(mode="promise_in_bounds")
    base = h * 256
    prev = tags_v[pl.ds(240, 16)]
    prev_last = prev.at[jnp.zeros((16,), i32) + 15].get(
        mode="promise_in_bounds")
    fbase = (b * 512 + base) * 128
    for i in range(16):
        tg = tags_v[pl.ds(base + i * 16, 16)]
        fidx[pl.ds(i * 16, 16)] = fbase + (iota + i * 16) * 128 + tg
    cps = [pltpu.async_copy(feat_hbm.at[fidx.at[pl.ds(j * 128, 128)]],
                            fval.at[pl.ds(j * 128, 128)], sem)
           for j in range(2)]
    for i in range(16):
        t = iota + (i * 16 + base)
        tg = tags_v[pl.ds(base + i * 16, 16)]
        tgm1 = jnp.where(
            iota == 0, prev_last,
            tg.at[shift_idx].get(mode="promise_in_bounds"))
        prev_last = tg.at[jnp.zeros((16,), i32) + 15].get(
            mode="promise_in_bounds")
        start = jnp.where(t == 0, _START, tgm1)
        stop = jnp.where(t >= lenb, _STOP, tg)
        tidx[pl.ds(i * 16, 16)] = stop * 128 + start
    cps += [pltpu.async_copy(trans_hbm.at[tidx.at[pl.ds(j * 128, 128)]],
                             tval.at[pl.ds(j * 128, 128)], sem)
            for j in range(2)]
    for cp in cps:
        cp.wait()
    acc = jnp.zeros((16,), jnp.float32)
    for i in range(16):
        t = iota + (i * 16 + base)
        acc = acc + jnp.where(t < lenb, fval[pl.ds(i * 16, 16)], 0.0)
        acc = acc + jnp.where(t <= lenb, tval[pl.ds(i * 16, 16)], 0.0)
    obuf[...] = acc
    pltpu.sync_copy(obuf, out_hbm.at[wid])


def _gold_sc(features, transitions, lengths, tags):
    B, T, K = features.shape
    run = pl.kernel(
        _gold_sc_body,
        mesh=plsc.VectorSubcoreMesh(core_axis_name="c", subcore_axis_name="s"),
        out_type=jax.ShapeDtypeStruct((32, 16), jnp.float32),
        scratch_types=[
            pltpu.VMEM((512,), jnp.int32),
            pltpu.VMEM((128,), jnp.int32),
            pltpu.VMEM((256,), jnp.int32),
            pltpu.VMEM((256,), jnp.int32),
            pltpu.VMEM((256,), jnp.float32),
            pltpu.VMEM((256,), jnp.float32),
            pltpu.VMEM((16,), jnp.float32),
            pltpu.SemaphoreType.DMA,
        ],
    )
    return run(features.reshape(B * T * K), transitions.reshape(K * K),
               lengths, tags)


def _fwd_kernel(f_ref, trans_ref, len_ref, out_ref):
    B, T, K = f_ref.shape
    f32 = jnp.float32

    exp_t = jnp.exp(trans_ref[...]).T.astype(jnp.bfloat16)

    iota_b = jax.lax.broadcasted_iota(jnp.int32, (B, K), 1)
    u0 = (iota_b == _START).astype(f32)
    lens = len_ref[...]

    UNROLL = 8

    def step(blk, carry):
        u, eint, rcap, ecap = carry
        tb = blk * UNROLL
        fchunk = f_ref[:, pl.ds(pl.multiple_of(tb, UNROLL), UNROLL), :]
        echunk = jnp.exp(fchunk - _SHIFT)
        for k in range(UNROLL):
            t = tb + k
            v = jax.lax.dot_general(
                u.astype(jnp.bfloat16), exp_t, (((1,), (0,)), ((), ())),
                preferred_element_type=f32)
            hit = lens == t
            rcap = jnp.where(hit, v[:, _STOP:_STOP + 1], rcap)
            ecap = jnp.where(hit, eint, ecap)
            u = echunk[:, k, :] * v
        m = jnp.max(u, axis=1, keepdims=True)
        ebits = lax.bitcast_convert_type(m, jnp.int32) & 0x7F800000
        inv = lax.bitcast_convert_type(0x7F000000 - ebits, f32)
        u = u * inv
        eint = eint + (ebits >> 23) - 127
        return u, eint, rcap, ecap

    zi = jnp.zeros((B, 1), jnp.int32)
    nblocks = jnp.max(lens) // UNROLL + 1
    _, _, rcap, ecap = jax.lax.fori_loop(
        0, nblocks, step, (u0, zi, jnp.ones((B, 1), f32), zi))

    fwd = (jnp.log(rcap) + ecap.astype(f32) * _LN2
           + _SHIFT * lens.astype(f32))
    out_ref[...] = jnp.reshape(jnp.sum(fwd), (1, 1))


def kernel(features, transitions, lengths, tags):
    B, T, K = features.shape
    tags = tags.astype(jnp.int32)
    lengths = lengths.astype(jnp.int32)

    fwd_sum = pl.pallas_call(
        _fwd_kernel,
        out_shape=jax.ShapeDtypeStruct((1, 1), jnp.float32),
    )(features, transitions, lengths.reshape(B, 1))
    partials = _gold_sc(features, transitions, lengths, tags)
    return (fwd_sum.reshape(()) - jnp.sum(partials)) / B

# --- scband reference (transcript-rebuilt; emitter-appended) ---
"""Pipeline reference for scband-crf-60653528154688 (READ-ONLY COPY).

The authoritative reference and input builder live on the scoring server;
editing this copy changes nothing except your own understanding.
"""

import jax, jax.numpy as jnp
import numpy as np

START = 126
STOP = 127
K = 128


def _lse(v, axis):
    m = jnp.max(v, axis=axis)
    return m + jnp.log(jnp.sum(jnp.exp(v - jnp.expand_dims(m, axis)), axis=axis))


def setup_inputs(seed: int = 0):
    key = jax.random.key(seed)
    k1, k2, k3, k4 = jax.random.split(key, 4)
    B, T = 16, 512
    features = jax.random.normal(k1, (B, T, K), dtype=jnp.float32)
    lengths = jax.random.randint(k2, (B,), 0, T)
    tags = jax.random.randint(k3, (B, T), 0, 126)
    transitions = jax.random.normal(k4, (K, K), dtype=jnp.float32)
    transitions = transitions.at[START, :].set(-10000.0).at[:, STOP].set(-10000.0)
    return {"features": features, "transitions": transitions, "lengths": lengths, "tags": tags}


def _crf_loss(features, transitions, lengths, tags):
    B, T, Kt = features.shape
    init_alphas = jnp.full((Kt,), -10000.0, dtype=features.dtype).at[START].set(0.0)
    fv0 = jnp.tile(init_alphas[None, :], (B, 1))

    def step(fv, emit):
        # tag_var[b, i, j] = emit[b, i] + transitions[i, j] + fv[b, j]
        tag_var = emit[:, :, None] + transitions[None, :, :] + fv[:, None, :]
        new_fv = _lse(tag_var, axis=2)
        return new_fv, new_fv

    _, fvs = jax.lax.scan(step, fv0, jnp.transpose(features, (1, 0, 2)))
    all_fv = jnp.concatenate([fv0[None], fvs], axis=0)  # [T+1, B, K]
    fv_at_len = jnp.transpose(all_fv, (1, 0, 2))[jnp.arange(B), lengths]
    terminal = fv_at_len + transitions[STOP][None, :]
    forward_score = _lse(terminal, axis=1)

    # gold score (vectorized version of the per-sample loop)
    start_col = jnp.full((B, 1), START, dtype=tags.dtype)
    stop_col = jnp.full((B, 1), STOP, dtype=tags.dtype)
    pad_start = jnp.concatenate([start_col, tags], axis=1)
    pad_stop = jnp.concatenate([tags, stop_col], axis=1)
    pos = jnp.arange(T + 1)[None, :]
    pad_stop = jnp.where(pos >= lengths[:, None], STOP, pad_stop)
    trans_scores = transitions[pad_stop, pad_start]
    trans_mask = (pos <= lengths[:, None]).astype(features.dtype)
    emit_scores = jnp.take_along_axis(features, tags[:, :, None], axis=2)[:, :, 0]
    emit_mask = (jnp.arange(T)[None, :] < lengths[:, None]).astype(features.dtype)
    gold = jnp.sum(trans_scores * trans_mask, axis=1) + jnp.sum(emit_scores * emit_mask, axis=1)
    return jnp.mean(forward_score - gold)


def reference(features, transitions, lengths, tags):
    return _crf_loss(features, transitions, lengths, tags)

if __name__ == "__main__":
    import jax
    _d = setup_inputs()
    print(jax.jit(kernel)(*tuple(_d.values())))

</pallas_src>

<mosaic_0001>
#map = affine_map<(d0, d1) -> (0)>
#map1 = affine_map<(d0, d1) -> (0, 0)>
module attributes {stable_mosaic.version = 14 : i64} {
  func.func @_gold_sc_body(%arg0: i32, %arg1: i32, %arg2: memref<1048576xf32, #tpu.memory_space<hbm>>, %arg3: memref<16384xf32, #tpu.memory_space<hbm>>, %arg4: memref<16xi32, #tpu.memory_space<hbm>>, %arg5: memref<16x512xi32, #tpu.memory_space<hbm>>, %arg6: memref<32x16xf32, #tpu.memory_space<hbm>>, %arg7: memref<512xi32, #tpu.memory_space<vmem>>, %arg8: memref<128xi32, #tpu.memory_space<vmem>>, %arg9: memref<256xi32, #tpu.memory_space<vmem>>, %arg10: memref<256xi32, #tpu.memory_space<vmem>>, %arg11: memref<256xf32, #tpu.memory_space<vmem>>, %arg12: memref<256xf32, #tpu.memory_space<vmem>>, %arg13: memref<16xf32, #tpu.memory_space<vmem>>, %arg14: memref<!tpu.dma_semaphore, #tpu.memory_space<semaphore_mem>>) attributes {dimension_semantics = [#tpu.dimension_semantics<core_parallel>, #tpu.dimension_semantics<subcore_parallel>], iteration_bounds = array<i64: 2, 16>, scalar_prefetch = 0 : i64, scratch_operands = 8 : i64, tpu.core_type = #tpu.core_type<sc_vector_subcore>, window_params = [{transform_indices = #map}, {transform_indices = #map}, {transform_indices = #map}, {transform_indices = #map1}, {transform_indices = #map1}]} {
    %mul3A = arith.constant 2 : i32
    %mul3A_0 = arith.muli %arg1, %mul3A : i32
    %add3A = arith.addi %mul3A_0, %arg0 : i32
    %jit3A = arith.constant 2 : i32
    %div3A = arith.divsi %add3A, %jit3A : i32
    %sign3A = arith.constant 0 : i32
    %sign3A_1 = arith.cmpi sgt, %add3A, %sign3A : i32
    %sign3A_2 = arith.extui %sign3A_1 : i1 to i32
    %sign3A_3 = arith.constant 0 : i32
    %sign3A_4 = arith.cmpi slt, %add3A, %sign3A_3 : i32
    %sign3A_5 = arith.extui %sign3A_4 : i1 to i32
    %sign3A_6 = arith.subi %sign3A_2, %sign3A_5 : i32
    %sign3A_7 = arith.constant 0 : i32
    %sign3A_8 = arith.cmpi sgt, %jit3A, %sign3A_7 : i32
    %sign3A_9 = arith.extui %sign3A_8 : i1 to i32
    %sign3A_10 = arith.constant 0 : i32
    %sign3A_11 = arith.cmpi slt, %jit3A, %sign3A_10 : i32
    %sign3A_12 = arith.extui %sign3A_11 : i1 to i32
    %sign3A_13 = arith.subi %sign3A_9, %sign3A_12 : i32
    %ne3A = arith.cmpi ne, %sign3A_6, %sign3A_13 : i32
    %rem3A = arith.remsi %add3A, %jit3A : i32
    %ne3A_14 = arith.constant 0 : i32
    %ne3A_15 = arith.cmpi ne, %rem3A, %ne3A_14 : i32
    %and3A = arith.andi %ne3A, %ne3A_15 : i1
    %sub3A = arith.constant 1 : i32
    %sub3A_16 = arith.subi %div3A, %sub3A : i32
    %select_n3A = arith.select %and3A, %sub3A_16, %div3A : i32
    %jit3A_17 = arith.constant 2 : i32
    %eq3A = arith.constant 0 : i32
    %eq3A_18 = arith.cmpi eq, %jit3A_17, %eq3A : i32
    %jit3A_19 = arith.constant 1 : i32
    %select_n3A_20 = arith.select %eq3A_18, %jit3A_19, %jit3A_17 : i32
    %rem3A_21 = arith.remsi %add3A, %select_n3A_20 : i32
    %ne3A_22 = arith.constant 0 : i32
    %ne3A_23 = arith.cmpi ne, %rem3A_21, %ne3A_22 : i32
    %lt3A = arith.constant 0 : i32
    %lt3A_24 = arith.cmpi slt, %rem3A_21, %lt3A : i32
    %lt3A_25 = arith.constant 0 : i32
    %lt3A_26 = arith.cmpi slt, %select_n3A_20, %lt3A_25 : i32
    %ne3A_27 = arith.xori %lt3A_24, %lt3A_26 : i1
    %and3A_28 = arith.andi %ne3A_27, %ne3A_23 : i1
    %add3A_29 = arith.addi %rem3A_21, %select_n3A_20 : i32
    %select_n3A_30 = arith.select %and3A_28, %add3A_29, %rem3A_21 : i32
    %dma_start3A = arith.constant 0 : i32
    %dma_start3A_31 = tpu.memref_slice %arg5[%select_n3A, %dma_start3A] : memref<16x512xi32, #tpu.memory_space<hbm>> -> memref<1x512xi32, #tpu.memory_space<hbm>>
    %dma_start3A_32 = tpu.memref_squeeze %dma_start3A_31 : memref<1x512xi32, #tpu.memory_space<hbm>> -> memref<512xi32, #tpu.memory_space<hbm>>
    %dma_start3A_33 = arith.constant 0 : i32
    %dma_start3A_34 = tpu.memref_slice %arg5[%select_n3A, %dma_start3A_33] : memref<16x512xi32, #tpu.memory_space<hbm>> -> memref<1x512xi32, #tpu.memory_space<hbm>>
    %dma_start3A_35 = tpu.memref_squeeze %dma_start3A_34 : memref<1x512xi32, #tpu.memory_space<hbm>> -> memref<512xi32, #tpu.memory_space<hbm>>
    tpu.enqueue_dma source(%dma_start3A_35 : memref<512xi32, #tpu.memory_space<hbm>>) target(%arg7 : memref<512xi32, #tpu.memory_space<vmem>>) target_semaphore(%arg14 : memref<!tpu.dma_semaphore, #tpu.memory_space<semaphore_mem>>)
    %dma_start3A_36 = arith.constant 0 : i32
    %dma_start3A_37 = tpu.memref_slice %arg8[%dma_start3A_36] : memref<128xi32, #tpu.memory_space<vmem>> -> memref<16xi32, #tpu.memory_space<vmem>>
    %dma_start3A_38 = arith.constant 0 : i32
    %dma_start3A_39 = tpu.memref_slice %arg8[%dma_start3A_38] : memref<128xi32, #tpu.memory_space<vmem>> -> memref<16xi32, #tpu.memory_space<vmem>>
    tpu.enqueue_dma source(%arg4 : memref<16xi32, #tpu.memory_space<hbm>>) target(%dma_start3A_39 : memref<16xi32, #tpu.memory_space<vmem>>) target_semaphore(%arg14 : memref<!tpu.dma_semaphore, #tpu.memory_space<semaphore_mem>>)
    %dma_wait3A = arith.constant 0 : i32
    %dma_wait3A_40 = tpu.memref_slice %arg5[%select_n3A, %dma_wait3A] : memref<16x512xi32, #tpu.memory_space<hbm>> -> memref<1x512xi32, #tpu.memory_space<hbm>>
    %dma_wait3A_41 = tpu.memref_squeeze %dma_wait3A_40 : memref<1x512xi32, #tpu.memory_space<hbm>> -> memref<512xi32, #tpu.memory_space<hbm>>
    %dma_wait3A_42 = arith.constant 0 : i32
    %dma_wait3A_43 = tpu.memref_slice %arg5[%select_n3A, %dma_wait3A_42] : memref<16x512xi32, #tpu.memory_space<hbm>> -> memref<1x512xi32, #tpu.memory_space<hbm>>
    %dma_wait3A_44 = tpu.memref_squeeze %dma_wait3A_43 : memref<1x512xi32, #tpu.memory_space<hbm>> -> memref<512xi32, #tpu.memory_space<hbm>>
    tpu.wait_dma2 semaphore(%arg14 : memref<!tpu.dma_semaphore, #tpu.memory_space<semaphore_mem>>) src(%dma_wait3A_44 : memref<512xi32, #tpu.memory_space<hbm>>) dst(%arg7 : memref<512xi32, #tpu.memory_space<vmem>>)
    %dma_wait3A_45 = arith.constant 0 : i32
    %dma_wait3A_46 = tpu.memref_slice %arg8[%dma_wait3A_45] : memref<128xi32, #tpu.memory_space<vmem>> -> memref<16xi32, #tpu.memory_space<vmem>>
    %dma_wait3A_47 = arith.constant 0 : i32
    %dma_wait3A_48 = tpu.memref_slice %arg8[%dma_wait3A_47] : memref<128xi32, #tpu.memory_space<vmem>> -> memref<16xi32, #tpu.memory_space<vmem>>
    tpu.wait_dma2 semaphore(%arg14 : memref<!tpu.dma_semaphore, #tpu.memory_space<semaphore_mem>>) src(%arg4 : memref<16xi32, #tpu.memory_space<hbm>>) dst(%dma_wait3A_48 : memref<16xi32, #tpu.memory_space<vmem>>)
    %iota3A = tpu.iota {dimensions = array<i32: 0>} : vector<16xi32>
    %broadcast_in_dim3A = arith.constant 0 : i32
    %broadcast_in_dim3A_49 = vector.broadcast %broadcast_in_dim3A : i32 to vector<16xi32>
    %add3A_50 = vector.broadcast %select_n3A : i32 to vector<16xi32>
    %add3A_51 = arith.addi %broadcast_in_dim3A_49, %add3A_50 : vector<16xi32>
    %sub3A_52 = arith.constant 1 : i32
    %sub3A_53 = vector.broadcast %sub3A_52 : i32 to vector<16xi32>
    %sub3A_54 = arith.subi %iota3A, %sub3A_53 : vector<16xi32>
    %max3A = arith.constant 0 : i32
    %max3A_55 = vector.broadcast %max3A : i32 to vector<16xi32>
    %max3A_56 = arith.maxsi %sub3A_54, %max3A_55 : vector<16xi32>
    %get3A = arith.constant 0 : index
    %get3A_57 = tpu.vector_load %arg8[%get3A] {strides = array<i32>} : memref<128xi32, #tpu.memory_space<vmem>>, vector<16xi32>,
    %get3A_58 = vector.shape_cast %get3A_57 : vector<16xi32> to vector<16xi32>
    %lt3A_59 = arith.constant 0 : i32
    %lt3A_60 = vector.broadcast %lt3A_59 : i32 to vector<16xi32>
    %lt3A_61 = arith.cmpi slt, %add3A_51, %lt3A_60 : vector<16xi32>
    %add3A_62 = arith.constant 16 : i32
    %add3A_63 = vector.broadcast %add3A_62 : i32 to vector<16xi32>
    %add3A_64 = arith.addi %add3A_51, %add3A_63 : vector<16xi32>
    %select_n3A_65 = arith.select %lt3A_61, %add3A_64, %add3A_51 : vector<16xi1>, vector<16xi32>
    %broadcast_in_dim3A_66 = vector.shape_cast %select_n3A_65 : vector<16xi32> to vector<16x1xi32>
    %gather3A = vector.shape_cast %broadcast_in_dim3A_66 : vector<16x1xi32> to vector<16xi32>
    %gather3A_67 = tpu.dynamic_gather %get3A_58[%gather3A] in [0] : vector<16xi32>, vector<16xi32> -> vector<16xi32>
    %mul3A_68 = arith.constant 256 : i32
    %mul3A_69 = arith.muli %select_n3A_30, %mul3A_68 : i32
    %get3A_70 = arith.constant 240 : index
    %get3A_71 = tpu.vector_load %arg7[%get3A_70] {strides = array<i32>} : memref<512xi32, #tpu.memory_space<vmem>>, vector<16xi32>,
    %get3A_72 = vector.shape_cast %get3A_71 : vector<16xi32> to vector<16xi32>
    %broadcast_in_dim3A_73 = arith.constant 0 : i32
    %broadcast_in_dim3A_74 = vector.broadcast %broadcast_in_dim3A_73 : i32 to vector<16xi32>
    %add3A_75 = arith.constant 15 : i32
    %add3A_76 = vector.broadcast %add3A_75 : i32 to vector<16xi32>
    %add3A_77 = arith.addi %broadcast_in_dim3A_74, %add3A_76 : vector<16xi32>
    %lt3A_78 = arith.constant 0 : i32
    %lt3A_79 = vector.broadcast %lt3A_78 : i32 to vector<16xi32>
    %lt3A_80 = arith.cmpi slt, %add3A_77, %lt3A_79 : vector<16xi32>
    %add3A_81 = arith.constant 16 : i32
    %add3A_82 = vector.broadcast %add3A_81 : i32 to vector<16xi32>
    %add3A_83 = arith.addi %add3A_77, %add3A_82 : vector<16xi32>
    %select_n3A_84 = arith.select %lt3A_80, %add3A_83, %add3A_77 : vector<16xi1>, vector<16xi32>
    %broadcast_in_dim3A_85 = vector.shape_cast %select_n3A_84 : vector<16xi32> to vector<16x1xi32>
    %gather3A_86 = vector.shape_cast %broadcast_in_dim3A_85 : vector<16x1xi32> to vector<16xi32>
    %gather3A_87 = tpu.dynamic_gather %get3A_72[%gather3A_86] in [0] : vector<16xi32>, vector<16xi32> -> vector<16xi32>
    %mul3A_88 = arith.constant 512 : i32
    %mul3A_89 = arith.muli %select_n3A, %mul3A_88 : i32
    %add3A_90 = arith.addi %mul3A_89, %mul3A_69 : i32
    %mul3A_91 = arith.constant 128 : i32
    %mul3A_92 = arith.muli %add3A_90, %mul3A_91 : i32
    %add3A_93 = arith.constant 0 : i32
    %add3A_94 = arith.addi %mul3A_69, %add3A_93 : i32
    %get3A_95 = arith.index_cast %add3A_94 : i32 to index
    %get3A_96 = tpu.vector_load %arg7[%get3A_95] {strides = array<i32>} : memref<512xi32, #tpu.memory_space<vmem>>, vector<16xi32>,
    %get3A_97 = vector.shape_cast %get3A_96 : vector<16xi32> to vector<16xi32>
    %add3A_98 = arith.constant 0 : i32
    %add3A_99 = vector.broadcast %add3A_98 : i32 to vector<16xi32>
    %add3A_100 = arith.addi %iota3A, %add3A_99 : vector<16xi32>
    %mul3A_101 = arith.constant 128 : i32
    %mul3A_102 = vector.broadcast %mul3A_101 : i32 to vector<16xi32>
    %mul3A_103 = arith.muli %add3A_100, %mul3A_102 : vector<16xi32>
    %add3A_104 = vector.broadcast %mul3A_92 : i32 to vector<16xi32>
    %add3A_105 = arith.addi %add3A_104, %mul3A_103 : vector<16xi32>
    %add3A_106 = arith.addi %add3A_105, %get3A_97 : vector<16xi32>
    %swap3A = arith.constant 0 : index
    %swap3A_107 = tpu.vector_load %arg9[%swap3A] {strides = array<i32>} : memref<256xi32, #tpu.memory_space<vmem>>, vector<16xi32>,
    %swap3A_108 = vector.shape_cast %swap3A_107 : vector<16xi32> to vector<16xi32>
    %swap3A_109 = vector.shape_cast %add3A_106 : vector<16xi32> to vector<16xi32>
    tpu.vector_store %arg9[%swap3A], %swap3A_109 {strides = array<i32>} : memref<256xi32, #tpu.memory_space<vmem>>, vector<16xi32>,
    %add3A_110 = arith.constant 16 : i32
    %add3A_111 = arith.addi %mul3A_69, %add3A_110 : i32
    %get3A_112 = arith.index_cast %add3A_111 : i32 to index
    %get3A_113 = tpu.vector_load %arg7[%get3A_112] {strides = array<i32>} : memref<512xi32, #tpu.memory_space<vmem>>, vector<16xi32>,
    %get3A_114 = vector.shape_cast %get3A_113 : vector<16xi32> to vector<16xi32>
    %add3A_115 = arith.constant 16 : i32
    %add3A_116 = vector.broadcast %add3A_115 : i32 to vector<16xi32>
    %add3A_117 = arith.addi %iota3A, %add3A_116 : vector<16xi32>
    %mul3A_118 = arith.constant 128 : i32
    %mul3A_119 = vector.broadcast %mul3A_118 : i32 to vector<16xi32>
    %mul3A_120 = arith.muli %add3A_117, %mul3A_119 : vector<16xi32>
    %add3A_121 = vector.broadcast %mul3A_92 : i32 to vector<16xi32>
    %add3A_122 = arith.addi %add3A_121, %mul3A_120 : vector<16xi32>
    %add3A_123 = arith.addi %add3A_122, %get3A_114 : vector<16xi32>
    %swap3A_124 = arith.constant 16 : index
    %swap3A_125 = tpu.vector_load %arg9[%swap3A_124] {strides = array<i32>} : memref<256xi32, #tpu.memory_space<vmem>>, vector<16xi32>,
    %swap3A_126 = vector.shape_cast %swap3A_125 : vector<16xi32> to vector<16xi32>
    %swap3A_127 = vector.shape_cast %add3A_123 : vector<16xi32> to vector<16xi32>
    tpu.vector_store %arg9[%swap3A_124], %swap3A_127 {strides = array<i32>} : memref<256xi32, #tpu.memory_space<vmem>>, vector<16xi32>,
    %add3A_128 = arith.constant 32 : i32
    %add3A_129 = arith.addi %mul3A_69, %add3A_128 : i32
    %get3A_130 = arith.index_cast %add3A_129 : i32 to index
    %get3A_131 = tpu.vector_load %arg7[%get3A_130] {strides = array<i32>} : memref<512xi32, #tpu.memory_space<vmem>>, vector<16xi32>,
    %get3A_132 = vector.shape_cast %get3A_131 : vector<16xi32> to vector<16xi32>
    %add3A_133 = arith.constant 32 : i32
    %add3A_134 = vector.broadcast %add3A_133 : i32 to vector<16xi32>
    %add3A_135 = arith.addi %iota3A, %add3A_134 : vector<16xi32>
    %mul3A_136 = arith.constant 128 : i32
    %mul3A_137 = vector.broadcast %mul3A_136 : i32 to vector<16xi32>
    %mul3A_138 = arith.muli %add3A_135, %mul3A_137 : vector<16xi32>
    %add3A_139 = vector.broadcast %mul3A_92 : i32 to vector<16xi32>
    %add3A_140 = arith.addi %add3A_139, %mul3A_138 : vector<16xi32>
    %add3A_141 = arith.addi %add3A_140, %get3A_132 : vector<16xi32>
    %swap3A_142 = arith.constant 32 : index
    %swap3A_143 = tpu.vector_load %arg9[%swap3A_142] {strides = array<i32>} : memref<256xi32, #tpu.memory_space<vmem>>, vector<16xi32>,
    %swap3A_144 = vector.shape_cast %swap3A_143 : vector<16xi32> to vector<16xi32>
    %swap3A_145 = vector.shape_cast %add3A_141 : vector<16xi32> to vector<16xi32>
    tpu.vector_store %arg9[%swap3A_142], %swap3A_145 {strides = array<i32>} : memref<256xi32, #tpu.memory_space<vmem>>, vector<16xi32>,
    %add3A_146 = arith.constant 48 : i32
    %add3A_147 = arith.addi %mul3A_69, %add3A_146 : i32
    %get3A_148 = arith.index_cast %add3A_147 : i32 to index
    %get3A_149 = tpu.vector_load %arg7[%get3A_148] {strides = array<i32>} : memref<512xi32, #tpu.memory_space<vmem>>, vector<16xi32>,
    %get3A_150 = vector.shape_cast %get3A_149 : vector<16xi32> to vector<16xi32>
    %add3A_151 = arith.constant 48 : i32
    %add3A_152 = vector.broadcast %add3A_151 : i32 to vector<16xi32>
    %add3A_153 = arith.addi %iota3A, %add3A_152 : vector<16xi32>
    %mul3A_154 = arith.constant 128 : i32
    %mul3A_155 = vector.broadcast %mul3A_154 : i32 to vector<16xi32>
    %mul3A_156 = arith.muli %add3A_153, %mul3A_155 : vector<16xi32>
    %add3A_157 = vector.broadcast %mul3A_92 : i32 to vector<16xi32>
    %add3A_158 = arith.addi %add3A_157, %mul3A_156 : vector<16xi32>
    %add3A_159 = arith.addi %add3A_158, %get3A_150 : vector<16xi32>
    %swap3A_160 = arith.constant 48 : index
    %swap3A_161 = tpu.vector_load %arg9[%swap3A_160] {strides = array<i32>} : memref<256xi32, #tpu.memory_space<vmem>>, vector<16xi32>,
    %swap3A_162 = vector.shape_cast %swap3A_161 : vector<16xi32> to vector<16xi32>
    %swap3A_163 = vector.shape_cast %add3A_159 : vector<16xi32> to vector<16xi32>
    tpu.vector_store %arg9[%swap3A_160], %swap3A_163 {strides = array<i32>} : memref<256xi32, #tpu.memory_space<vmem>>, vector<16xi32>,
    %add3A_164 = arith.constant 64 : i32
    %add3A_165 = arith.addi %mul3A_69, %add3A_164 : i32
    %get3A_166 = arith.index_cast %add3A_165 : i32 to index
    %get3A_167 = tpu.vector_load %arg7[%get3A_166] {strides = array<i32>} : memref<512xi32, #tpu.memory_space<vmem>>, vector<16xi32>,
    %get3A_168 = vector.shape_cast %get3A_167 : vector<16xi32> to vector<16xi32>
    %add3A_169 = arith.constant 64 : i32
    %add3A_170 = vector.broadcast %add3A_169 : i32 to vector<16xi32>
    %add3A_171 = arith.addi %iota3A, %add3A_170 : vector<16xi32>
    %mul3A_172 = arith.constant 128 : i32
    %mul3A_173 = vector.broadcast %mul3A_172 : i32 to vector<16xi32>
    %mul3A_174 = arith.muli %add3A_171, %mul3A_173 : vector<16xi32>
    %add3A_175 = vector.broadcast %mul3A_92 : i32 to vector<16xi32>
    %add3A_176 = arith.addi %add3A_175, %mul3A_174 : vector<16xi32>
    %add3A_177 = arith.addi %add3A_176, %get3A_168 : vector<16xi32>
    %swap3A_178 = arith.constant 64 : index
    %swap3A_179 = tpu.vector_load %arg9[%swap3A_178] {strides = array<i32>} : memref<256xi32, #tpu.memory_space<vmem>>, vector<16xi32>,
    %swap3A_180 = vector.shape_cast %swap3A_179 : vector<16xi32> to vector<16xi32>
    %swap3A_181 = vector.shape_cast %add3A_177 : vector<16xi32> to vector<16xi32>
    tpu.vector_store %arg9[%swap3A_178], %swap3A_181 {strides = array<i32>} : memref<256xi32, #tpu.memory_space<vmem>>, vector<16xi32>,
    %add3A_182 = arith.constant 80 : i32
    %add3A_183 = arith.addi %mul3A_69, %add3A_182 : i32
    %get3A_184 = arith.index_cast %add3A_183 : i32 to index
    %get3A_185 = tpu.vector_load %arg7[%get3A_184] {strides = array<i32>} : memref<512xi32, #tpu.memory_space<vmem>>, vector<16xi32>,
    %get3A_186 = vector.shape_cast %get3A_185 : vector<16xi32> to vector<16xi32>
    %add3A_187 = arith.constant 80 : i32
    %add3A_188 = vector.broadcast %add3A_187 : i32 to vector<16xi32>
    %add3A_189 = arith.addi %iota3A, %add3A_188 : vector<16xi32>
    %mul3A_190 = arith.constant 128 : i32
    %mul3A_191 = vector.broadcast %mul3A_190 : i32 to vector<16xi32>
    %mul3A_192 = arith.muli %add3A_189, %mul3A_191 : vector<16xi32>
    %add3A_193 = vector.broadcast %mul3A_92 : i32 to vector<16xi32>
    %add3A_194 = arith.addi %add3A_193, %mul3A_192 : vector<16xi32>
    %add3A_195 = arith.addi %add3A_194, %get3A_186 : vector<16xi32>
    %swap3A_196 = arith.constant 80 : index
    %swap3A_197 = tpu.vector_load %arg9[%swap3A_196] {strides = array<i32>} : memref<256xi32, #tpu.memory_space<vmem>>, vector<16xi32>,
    %swap3A_198 = vector.shape_cast %swap3A_197 : vector<16xi32> to vector<16xi32>
    %swap3A_199 = vector.shape_cast %add3A_195 : vector<16xi32> to vector<16xi32>
    tpu.vector_store %arg9[%swap3A_196], %swap3A_199 {strides = array<i32>} : memref<256xi32, #tpu.memory_space<vmem>>, vector<16xi32>,
    %add3A_200 = arith.constant 96 : i32
    %add3A_201 = arith.addi %mul3A_69, %add3A_200 : i32
    %get3A_202 = arith.index_cast %add3A_201 : i32 to index
    %get3A_203 = tpu.vector_load %arg7[%get3A_202] {strides = array<i32>} : memref<512xi32, #tpu.memory_space<vmem>>, vector<16xi32>,
    %get3A_204 = vector.shape_cast %get3A_203 : vector<16xi32> to vector<16xi32>
    %add3A_205 = arith.constant 96 : i32
    %add3A_206 = vector.broadcast %add3A_205 : i32 to vector<16xi32>
    %add3A_207 = arith.addi %iota3A, %add3A_206 : vector<16xi32>
    %mul3A_208 = arith.constant 128 : i32
    %mul3A_209 = vector.broadcast %mul3A_208 : i32 to vector<16xi32>
    %mul3A_210 = arith.muli %add3A_207, %mul3A_209 : vector<16xi32>
    %add3A_211 = vector.broadcast %mul3A_92 : i32 to vector<16xi32>
    %add3A_212 = arith.addi %add3A_211, %mul3A_210 : vector<16xi32>
    %add3A_213 = arith.addi %add3A_212, %get3A_204 : vector<16xi32>
    %swap3A_214 = arith.constant 96 : index
    %swap3A_215 = tpu.vector_load %arg9[%swap3A_214] {strides = array<i32>} : memref<256xi32, #tpu.memory_space<vmem>>, vector<16xi32>,
    %swap3A_216 = vector.shape_cast %swap3A_215 : vector<16xi32> to vector<16xi32>
    %swap3A_217 = vector.shape_cast %add3A_213 : vector<16xi32> to vector<16xi32>
    tpu.vector_store %arg9[%swap3A_214], %swap3A_217 {strides = array<i32>} : memref<256xi32, #tpu.memory_space<vmem>>, vector<16xi32>,
    %add3A_218 = arith.constant 112 : i32
    %add3A_219 = arith.addi %mul3A_69, %add3A_218 : i32
    %get3A_220 = arith.index_cast %add3A_219 : i32 to index
    %get3A_221 = tpu.vector_load %arg7[%get3A_220] {strides = array<i32>} : memref<512xi32, #tpu.memory_space<vmem>>, vector<16xi32>,
    %get3A_222 = vector.shape_cast %get3A_221 : vector<16xi32> to vector<16xi32>
    %add3A_223 = arith.constant 112 : i32
    %add3A_224 = vector.broadcast %add3A_223 : i32 to vector<16xi32>
    %add3A_225 = arith.addi %iota3A, %add3A_224 : vector<16xi32>
    %mul3A_226 = arith.constant 128 : i32
    %mul3A_227 = vector.broadcast %mul3A_226 : i32 to vector<16xi32>
    %mul3A_228 = arith.muli %add3A_225, %mul3A_227 : vector<16xi32>
    %add3A_229 = vector.broadcast %mul3A_92 : i32 to vector<16xi32>
    %add3A_230 = arith.addi %add3A_229, %mul3A_228 : vector<16xi32>
    %add3A_231 = arith.addi %add3A_230, %get3A_222 : vector<16xi32>
    %swap3A_232 = arith.constant 112 : index
    %swap3A_233 = tpu.vector_load %arg9[%swap3A_232] {strides = array<i32>} : memref<256xi32, #tpu.memory_space<vmem>>, vector<16xi32>,
    %swap3A_234 = vector.shape_cast %swap3A_233 : vector<16xi32> to vector<16xi32>
    %swap3A_235 = vector.shape_cast %add3A_231 : vector<16xi32> to vector<16xi32>
    tpu.vector_store %arg9[%swap3A_232], %swap3A_235 {strides = array<i32>} : memref<256xi32, #tpu.memory_space<vmem>>, vector<16xi32>,
    %add3A_236 = arith.constant 128 : i32
    %add3A_237 = arith.addi %mul3A_69, %add3A_236 : i32
    %get3A_238 = arith.index_cast %add3A_237 : i32 to index
    %get3A_239 = tpu.vector_load %arg7[%get3A_238] {strides = array<i32>} : memref<512xi32, #tpu.memory_space<vmem>>, vector<16xi32>,
    %get3A_240 = vector.shape_cast %get3A_239 : vector<16xi32> to vector<16xi32>
    %add3A_241 = arith.constant 128 : i32
    %add3A_242 = vector.broadcast %add3A_241 : i32 to vector<16xi32>
    %add3A_243 = arith.addi %iota3A, %add3A_242 : vector<16xi32>
    %mul3A_244 = arith.constant 128 : i32
    %mul3A_245 = vector.broadcast %mul3A_244 : i32 to vector<16xi32>
    %mul3A_246 = arith.muli %add3A_243, %mul3A_245 : vector<16xi32>
    %add3A_247 = vector.broadcast %mul3A_92 : i32 to vector<16xi32>
    %add3A_248 = arith.addi %add3A_247, %mul3A_246 : vector<16xi32>
    %add3A_249 = arith.addi %add3A_248, %get3A_240 : vector<16xi32>
    %swap3A_250 = arith.constant 128 : index
    %swap3A_251 = tpu.vector_load %arg9[%swap3A_250] {strides = array<i32>} : memref<256xi32, #tpu.memory_space<vmem>>, vector<16xi32>,
    %swap3A_252 = vector.shape_cast %swap3A_251 : vector<16xi32> to vector<16xi32>
    %swap3A_253 = vector.shape_cast %add3A_249 : vector<16xi32> to vector<16xi32>
    tpu.vector_store %arg9[%swap3A_250], %swap3A_253 {strides = array<i32>} : memref<256xi32, #tpu.memory_space<vmem>>, vector<16xi32>,
    %add3A_254 = arith.constant 144 : i32
    %add3A_255 = arith.addi %mul3A_69, %add3A_254 : i32
    %get3A_256 = arith.index_cast %add3A_255 : i32 to index
    %get3A_257 = tpu.vector_load %arg7[%get3A_256] {strides = array<i32>} : memref<512xi32, #tpu.memory_space<vmem>>, vector<16xi32>,
    %get3A_258 = vector.shape_cast %get3A_257 : vector<16xi32> to vector<16xi32>
    %add3A_259 = arith.constant 144 : i32
    %add3A_260 = vector.broadcast %add3A_259 : i32 to vector<16xi32>
    %add3A_261 = arith.addi %iota3A, %add3A_260 : vector<16xi32>
    %mul3A_262 = arith.constant 128 : i32
    %mul3A_263 = vector.broadcast %mul3A_262 : i32 to vector<16xi32>
    %mul3A_264 = arith.muli %add3A_261, %mul3A_263 : vector<16xi32>
    %add3A_265 = vector.broadcast %mul3A_92 : i32 to vector<16xi32>
    %add3A_266 = arith.addi %add3A_265, %mul3A_264 : vector<16xi32>
    %add3A_267 = arith.addi %add3A_266, %get3A_258 : vector<16xi32>
    %swap3A_268 = arith.constant 144 : index
    %swap3A_269 = tpu.vector_load %arg9[%swap3A_268] {strides = array<i32>} : memref<256xi32, #tpu.memory_space<vmem>>, vector<16xi32>,
    %swap3A_270 = vector.shape_cast %swap3A_269 : vector<16xi32> to vector<16xi32>
    %swap3A_271 = vector.shape_cast %add3A_267 : vector<16xi32> to vector<16xi32>
    tpu.vector_store %arg9[%swap3A_268], %swap3A_271 {strides = array<i32>} : memref<256xi32, #tpu.memory_space<vmem>>, vector<16xi32>,
    %add3A_272 = arith.constant 160 : i32
    %add3A_273 = arith.addi %mul3A_69, %add3A_272 : i32
    %get3A_274 = arith.index_cast %add3A_273 : i32 to index
    %get3A_275 = tpu.vector_load %arg7[%get3A_274] {strides = array<i32>} : memref<512xi32, #tpu.memory_space<vmem>>, vector<16xi32>,
    %get3A_276 = vector.shape_cast %get3A_275 : vector<16xi32> to vector<16xi32>
    %add3A_277 = arith.constant 160 : i32
    %add3A_278 = vector.broadcast %add3A_277 : i32 to vector<16xi32>
    %add3A_279 = arith.addi %iota3A, %add3A_278 : vector<16xi32>
    %mul3A_280 = arith.constant 128 : i32
    %mul3A_281 = vector.broadcast %mul3A_280 : i32 to vector<16xi32>
    %mul3A_282 = arith.muli %add3A_279, %mul3A_281 : vector<16xi32>
    %add3A_283 = vector.broadcast %mul3A_92 : i32 to vector<16xi32>
    %add3A_284 = arith.addi %add3A_283, %mul3A_282 : vector<16xi32>
    %add3A_285 = arith.addi %add3A_284, %get3A_276 : vector<16xi32>
    %swap3A_286 = arith.constant 160 : index
    %swap3A_287 = tpu.vector_load %arg9[%swap3A_286] {strides = array<i32>} : memref<256xi32, #tpu.memory_space<vmem>>, vector<16xi32>,
    %swap3A_288 = vector.shape_cast %swap3A_287 : vector<16xi32> to vector<16xi32>
    %swap3A_289 = vector.shape_cast %add3A_285 : vector<16xi32> to vector<16xi32>
    tpu.vector_store %arg9[%swap3A_286], %swap3A_289 {strides = array<i32>} : memref<256xi32, #tpu.memory_space<vmem>>, vector<16xi32>,
    %add3A_290 = arith.constant 176 : i32
    %add3A_291 = arith.addi %mul3A_69, %add3A_290 : i32
    %get3A_292 = arith.index_cast %add3A_291 : i32 to index
    %get3A_293 = tpu.vector_load %arg7[%get3A_292] {strides = array<i32>} : memref<512xi32, #tpu.memory_space<vmem>>, vector<16xi32>,
    %get3A_294 = vector.shape_cast %get3A_293 : vector<16xi32> to vector<16xi32>
    %add3A_295 = arith.constant 176 : i32
    %add3A_296 = vector.broadcast %add3A_295 : i32 to vector<16xi32>
    %add3A_297 = arith.addi %iota3A, %add3A_296 : vector<16xi32>
    %mul3A_298 = arith.constant 128 : i32
    %mul3A_299 = vector.broadcast %mul3A_298 : i32 to vector<16xi32>
    %mul3A_300 = arith.muli %add3A_297, %mul3A_299 : vector<16xi32>
    %add3A_301 = vector.broadcast %mul3A_92 : i32 to vector<16xi32>
    %add3A_302 = arith.addi %add3A_301, %mul3A_300 : vector<16xi32>
    %add3A_303 = arith.addi %add3A_302, %get3A_294 : vector<16xi32>
    %swap3A_304 = arith.constant 176 : index
    %swap3A_305 = tpu.vector_load %arg9[%swap3A_304] {strides = array<i32>} : memref<256xi32, #tpu.memory_space<vmem>>, vector<16xi32>,
    %swap3A_306 = vector.shape_cast %swap3A_305 : vector<16xi32> to vector<16xi32>
    %swap3A_307 = vector.shape_cast %add3A_303 : vector<16xi32> to vector<16xi32>
    tpu.vector_store %arg9[%swap3A_304], %swap3A_307 {strides = array<i32>} : memref<256xi32, #tpu.memory_space<vmem>>, vector<16xi32>,
    %add3A_308 = arith.constant 192 : i32
    %add3A_309 = arith.addi %mul3A_69, %add3A_308 : i32
    %get3A_310 = arith.index_cast %add3A_309 : i32 to index
    %get3A_311 = tpu.vector_load %arg7[%get3A_310] {strides = array<i32>} : memref<512xi32, #tpu.memory_space<vmem>>, vector<16xi32>,
    %get3A_312 = vector.shape_cast %get3A_311 : vector<16xi32> to vector<16xi32>
    %add3A_313 = arith.constant 192 : i32
    %add3A_314 = vector.broadcast %add3A_313 : i32 to vector<16xi32>
    %add3A_315 = arith.addi %iota3A, %add3A_314 : vector<16xi32>
    %mul3A_316 = arith.constant 128 : i32
    %mul3A_317 = vector.broadcast %mul3A_316 : i32 to vector<16xi32>
    %mul3A_318 = arith.muli %add3A_315, %mul3A_317 : vector<16xi32>
    %add3A_319 = vector.broadcast %mul3A_92 : i32 to vector<16xi32>
    %add3A_320 = arith.addi %add3A_319, %mul3A_318 : vector<16xi32>
    %add3A_321 = arith.addi %add3A_320, %get3A_312 : vector<16xi32>
    %swap3A_322 = arith.constant 192 : index
    %swap3A_323 = tpu.vector_load %arg9[%swap3A_322] {strides = array<i32>} : memref<256xi32, #tpu.memory_space<vmem>>, vector<16xi32>,
    %swap3A_324 = vector.shape_cast %swap3A_323 : vector<16xi32> to vector<16xi32>
    %swap3A_325 = vector.shape_cast %add3A_321 : vector<16xi32> to vector<16xi32>
    tpu.vector_store %arg9[%swap3A_322], %swap3A_325 {strides = array<i32>} : memref<256xi32, #tpu.memory_space<vmem>>, vector<16xi32>,
    %add3A_326 = arith.constant 208 : i32
    %add3A_327 = arith.addi %mul3A_69, %add3A_326 : i32
    %get3A_328 = arith.index_cast %add3A_327 : i32 to index
    %get3A_329 = tpu.vector_load %arg7[%get3A_328] {strides = array<i32>} : memref<512xi32, #tpu.memory_space<vmem>>, vector<16xi32>,
    %get3A_330 = vector.shape_cast %get3A_329 : vector<16xi32> to vector<16xi32>
    %add3A_331 = arith.constant 208 : i32
    %add3A_332 = vector.broadcast %add3A_331 : i32 to vector<16xi32>
    %add3A_333 = arith.addi %iota3A, %add3A_332 : vector<16xi32>
    %mul3A_334 = arith.constant 128 : i32
    %mul3A_335 = vector.broadcast %mul3A_334 : i32 to vector<16xi32>
    %mul3A_336 = arith.muli %add3A_333, %mul3A_335 : vector<16xi32>
    %add3A_337 = vector.broadcast %mul3A_92 : i32 to vector<16xi32>
    %add3A_338 = arith.addi %add3A_337, %mul3A_336 : vector<16xi32>
    %add3A_339 = arith.addi %add3A_338, %get3A_330 : vector<16xi32>
    %swap3A_340 = arith.constant 208 : index
    %swap3A_341 = tpu.vector_load %arg9[%swap3A_340] {strides = array<i32>} : memref<256xi32, #tpu.memory_space<vmem>>, vector<16xi32>,
    %swap3A_342 = vector.shape_cast %swap3A_341 : vector<16xi32> to vector<16xi32>
    %swap3A_343 = vector.shape_cast %add3A_339 : vector<16xi32> to vector<16xi32>
    tpu.vector_store %arg9[%swap3A_340], %swap3A_343 {strides = array<i32>} : memref<256xi32, #tpu.memory_space<vmem>>, vector<16xi32>,
    %add3A_344 = arith.constant 224 : i32
    %add3A_345 = arith.addi %mul3A_69, %add3A_344 : i32
    %get3A_346 = arith.index_cast %add3A_345 : i32 to index
    %get3A_347 = tpu.vector_load %arg7[%get3A_346] {strides = array<i32>} : memref<512xi32, #tpu.memory_space<vmem>>, vector<16xi32>,
    %get3A_348 = vector.shape_cast %get3A_347 : vector<16xi32> to vector<16xi32>
    %add3A_349 = arith.constant 224 : i32
    %add3A_350 = vector.broadcast %add3A_349 : i32 to vector<16xi32>
    %add3A_351 = arith.addi %iota3A, %add3A_350 : vector<16xi32>
    %mul3A_352 = arith.constant 128 : i32
    %mul3A_353 = vector.broadcast %mul3A_352 : i32 to vector<16xi32>
    %mul3A_354 = arith.muli %add3A_351, %mul3A_353 : vector<16xi32>
    %add3A_355 = vector.broadcast %mul3A_92 : i32 to vector<16xi32>
    %add3A_356 = arith.addi %add3A_355, %mul3A_354 : vector<16xi32>
    %add3A_357 = arith.addi %add3A_356, %get3A_348 : vector<16xi32>
    %swap3A_358 = arith.constant 224 : index
    %swap3A_359 = tpu.vector_load %arg9[%swap3A_358] {strides = array<i32>} : memref<256xi32, #tpu.memory_space<vmem>>, vector<16xi32>,
    %swap3A_360 = vector.shape_cast %swap3A_359 : vector<16xi32> to vector<16xi32>
    %swap3A_361 = vector.shape_cast %add3A_357 : vector<16xi32> to vector<16xi32>
    tpu.vector_store %arg9[%swap3A_358], %swap3A_361 {strides = array<i32>} : memref<256xi32, #tpu.memory_space<vmem>>, vector<16xi32>,
    %add3A_362 = arith.constant 240 : i32
    %add3A_363 = arith.addi %mul3A_69, %add3A_362 : i32
    %get3A_364 = arith.index_cast %add3A_363 : i32 to index
    %get3A_365 = tpu.vector_load %arg7[%get3A_364] {strides = array<i32>} : memref<512xi32, #tpu.memory_space<vmem>>, vector<16xi32>,
    %get3A_366 = vector.shape_cast %get3A_365 : vector<16xi32> to vector<16xi32>
    %add3A_367 = arith.constant 240 : i32
    %add3A_368 = vector.broadcast %add3A_367 : i32 to vector<16xi32>
    %add3A_369 = arith.addi %iota3A, %add3A_368 : vector<16xi32>
    %mul3A_370 = arith.constant 128 : i32
    %mul3A_371 = vector.broadcast %mul3A_370 : i32 to vector<16xi32>
    %mul3A_372 = arith.muli %add3A_369, %mul3A_371 : vector<16xi32>
    %add3A_373 = vector.broadcast %mul3A_92 : i32 to vector<16xi32>
    %add3A_374 = arith.addi %add3A_373, %mul3A_372 : vector<16xi32>
    %add3A_375 = arith.addi %add3A_374, %get3A_366 : vector<16xi32>
    %swap3A_376 = arith.constant 240 : index
    %swap3A_377 = tpu.vector_load %arg9[%swap3A_376] {strides = array<i32>} : memref<256xi32, #tpu.memory_space<vmem>>, vector<16xi32>,
    %swap3A_378 = vector.shape_cast %swap3A_377 : vector<16xi32> to vector<16xi32>
    %swap3A_379 = vector.shape_cast %add3A_375 : vector<16xi32> to vector<16xi32>
    tpu.vector_store %arg9[%swap3A_376], %swap3A_379 {strides = array<i32>} : memref<256xi32, #tpu.memory_space<vmem>>, vector<16xi32>,
    %dma_start3A_380 = arith.constant 0 : i32
    %dma_start3A_381 = tpu.memref_slice %arg11[%dma_start3A_380] : memref<256xf32, #tpu.memory_space<vmem>> -> memref<128xf32, #tpu.memory_space<vmem>>
    %dma_start3A_382 = arith.constant 0 : i32
    %dma_start3A_383 = tpu.memref_slice %arg9[%dma_start3A_382] : memref<256xi32, #tpu.memory_space<vmem>> -> memref<128xi32, #tpu.memory_space<vmem>>
    %dma_start3A_384 = arith.constant 0 : i32
    %dma_start3A_385 = tpu.memref_slice %arg2[%dma_start3A_384] : memref<1048576xf32, #tpu.memory_space<hbm>> -> memref<1048576xf32, #tpu.memory_space<hbm>>
    tpu.enqueue_indirect_dma source(%dma_start3A_385 : memref<1048576xf32, #tpu.memory_space<hbm>>) target(%dma_start3A_381 : memref<128xf32, #tpu.memory_space<vmem>>) offsets(%dma_start3A_383 : memref<128xi32, #tpu.memory_space<vmem>>) semaphore(%arg14 : memref<!tpu.dma_semaphore, #tpu.memory_space<semaphore_mem>>)
    %dma_start3A_386 = arith.constant 128 : i32
    %dma_start3A_387 = tpu.memref_slice %arg11[%dma_start3A_386] : memref<256xf32, #tpu.memory_space<vmem>> -> memref<128xf32, #tpu.memory_space<vmem>>
    %dma_start3A_388 = arith.constant 128 : i32
    %dma_start3A_389 = tpu.memref_slice %arg9[%dma_start3A_388] : memref<256xi32, #tpu.memory_space<vmem>> -> memref<128xi32, #tpu.memory_space<vmem>>
    %dma_start3A_390 = arith.constant 0 : i32
    %dma_start3A_391 = tpu.memref_slice %arg2[%dma_start3A_390] : memref<1048576xf32, #tpu.memory_space<hbm>> -> memref<1048576xf32, #tpu.memory_space<hbm>>
    tpu.enqueue_indirect_dma source(%dma_start3A_391 : memref<1048576xf32, #tpu.memory_space<hbm>>) target(%dma_start3A_387 : memref<128xf32, #tpu.memory_space<vmem>>) offsets(%dma_start3A_389 : memref<128xi32, #tpu.memory_space<vmem>>) semaphore(%arg14 : memref<!tpu.dma_semaphore, #tpu.memory_space<semaphore_mem>>)
    %add3A_392 = arith.constant 0 : i32
    %add3A_393 = arith.addi %add3A_392, %mul3A_69 : i32
    %add3A_394 = vector.broadcast %add3A_393 : i32 to vector<16xi32>
    %add3A_395 = arith.addi %iota3A, %add3A_394 : vector<16xi32>
    %add3A_396 = arith.constant 0 : i32
    %add3A_397 = arith.addi %mul3A_69, %add3A_396 : i32
    %get3A_398 = arith.index_cast %add3A_397 : i32 to index
    %get3A_399 = tpu.vector_load %arg7[%get3A_398] {strides = array<i32>} : memref<512xi32, #tpu.memory_space<vmem>>, vector<16xi32>,
    %get3A_400 = vector.shape_cast %get3A_399 : vector<16xi32> to vector<16xi32>
    %eq3A_401 = arith.constant 0 : i32
    %eq3A_402 = vector.broadcast %eq3A_401 : i32 to vector<16xi32>
    %eq3A_403 = arith.cmpi eq, %iota3A, %eq3A_402 : vector<16xi32>
    %lt3A_404 = arith.constant 0 : i32
    %lt3A_405 = vector.broadcast %lt3A_404 : i32 to vector<16xi32>
    %lt3A_406 = arith.cmpi slt, %max3A_56, %lt3A_405 : vector<16xi32>
    %add3A_407 = arith.constant 16 : i32
    %add3A_408 = vector.broadcast %add3A_407 : i32 to vector<16xi32>
    %add3A_409 = arith.addi %max3A_56, %add3A_408 : vector<16xi32>
    %select_n3A_410 = arith.select %lt3A_406, %add3A_409, %max3A_56 : vector<16xi1>, vector<16xi32>
    %broadcast_in_dim3A_411 = vector.shape_cast %select_n3A_410 : vector<16xi32> to vector<16x1xi32>
    %gather3A_412 = vector.shape_cast %broadcast_in_dim3A_411 : vector<16x1xi32> to vector<16xi32>
    %gather3A_413 = tpu.dynamic_gather %get3A_400[%gather3A_412] in [0] : vector<16xi32>, vector<16xi32> -> vector<16xi32>
    %select_n3A_414 = arith.select %eq3A_403, %gather3A_87, %gather3A_413 : vector<16xi1>, vector<16xi32>
    %broadcast_in_dim3A_415 = arith.constant 0 : i32
    %broadcast_in_dim3A_416 = vector.broadcast %broadcast_in_dim3A_415 : i32 to vector<16xi32>
    %add3A_417 = arith.constant 15 : i32
    %add3A_418 = vector.broadcast %add3A_417 : i32 to vector<16xi32>
    %add3A_419 = arith.addi %broadcast_in_dim3A_416, %add3A_418 : vector<16xi32>
    %lt3A_420 = arith.constant 0 : i32
    %lt3A_421 = vector.broadcast %lt3A_420 : i32 to vector<16xi32>
    %lt3A_422 = arith.cmpi slt, %add3A_419, %lt3A_421 : vector<16xi32>
    %add3A_423 = arith.constant 16 : i32
    %add3A_424 = vector.broadcast %add3A_423 : i32 to vector<16xi32>
    %add3A_425 = arith.addi %add3A_419, %add3A_424 : vector<16xi32>
    %select_n3A_426 = arith.select %lt3A_422, %add3A_425, %add3A_419 : vector<16xi1>, vector<16xi32>
    %broadcast_in_dim3A_427 = vector.shape_cast %select_n3A_426 : vector<16xi32> to vector<16x1xi32>
    %gather3A_428 = vector.shape_cast %broadcast_in_dim3A_427 : vector<16x1xi32> to vector<16xi32>
    %gather3A_429 = tpu.dynamic_gather %get3A_400[%gather3A_428] in [0] : vector<16xi32>, vector<16xi32> -> vector<16xi32>
    %eq3A_430 = arith.constant 0 : i32
    %eq3A_431 = vector.broadcast %eq3A_430 : i32 to vector<16xi32>
    %eq3A_432 = arith.cmpi eq, %add3A_395, %eq3A_431 : vector<16xi32>
    %jit3A_433 = arith.constant 126 : i32
    %broadcast_in_dim3A_434 = vector.broadcast %jit3A_433 : i32 to vector<16xi32>
    %select_n3A_435 = arith.select %eq3A_432, %broadcast_in_dim3A_434, %select_n3A_414 : vector<16xi1>, vector<16xi32>
    %ge3A = arith.cmpi sge, %add3A_395, %gather3A_67 : vector<16xi32>
    %jit3A_436 = arith.constant 127 : i32
    %broadcast_in_dim3A_437 = vector.broadcast %jit3A_436 : i32 to vector<16xi32>
    %select_n3A_438 = arith.select %ge3A, %broadcast_in_dim3A_437, %get3A_400 : vector<16xi1>, vector<16xi32>
    %mul3A_439 = arith.constant 128 : i32
    %mul3A_440 = vector.broadcast %mul3A_439 : i32 to vector<16xi32>
    %mul3A_441 = arith.muli %select_n3A_438, %mul3A_440 : vector<16xi32>
    %add3A_442 = arith.addi %mul3A_441, %select_n3A_435 : vector<16xi32>
    %swap3A_443 = arith.constant 0 : index
    %swap3A_444 = tpu.vector_load %arg10[%swap3A_443] {strides = array<i32>} : memref<256xi32, #tpu.memory_space<vmem>>, vector<16xi32>,
    %swap3A_445 = vector.shape_cast %swap3A_444 : vector<16xi32> to vector<16xi32>
    %swap3A_446 = vector.shape_cast %add3A_442 : vector<16xi32> to vector<16xi32>
    tpu.vector_store %arg10[%swap3A_443], %swap3A_446 {strides = array<i32>} : memref<256xi32, #tpu.memory_space<vmem>>, vector<16xi32>,
    %add3A_447 = arith.constant 16 : i32
    %add3A_448 = arith.addi %add3A_447, %mul3A_69 : i32
    %add3A_449 = vector.broadcast %add3A_448 : i32 to vector<16xi32>
    %add3A_450 = arith.addi %iota3A, %add3A_449 : vector<16xi32>
    %add3A_451 = arith.constant 16 : i32
    %add3A_452 = arith.addi %mul3A_69, %add3A_451 : i32
    %get3A_453 = arith.index_cast %add3A_452 : i32 to index
    %get3A_454 = tpu.vector_load %arg7[%get3A_453] {strides = array<i32>} : memref<512xi32, #tpu.memory_space<vmem>>, vector<16xi32>,
    %get3A_455 = vector.shape_cast %get3A_454 : vector<16xi32> to vector<16xi32>
    %eq3A_456 = arith.constant 0 : i32
    %eq3A_457 = vector.broadcast %eq3A_456 : i32 to vector<16xi32>
    %eq3A_458 = arith.cmpi eq, %iota3A, %eq3A_457 : vector<16xi32>
    %lt3A_459 = arith.constant 0 : i32
    %lt3A_460 = vector.broadcast %lt3A_459 : i32 to vector<16xi32>
    %lt3A_461 = arith.cmpi slt, %max3A_56, %lt3A_460 : vector<16xi32>
    %add3A_462 = arith.constant 16 : i32
    %add3A_463 = vector.broadcast %add3A_462 : i32 to vector<16xi32>
    %add3A_464 = arith.addi %max3A_56, %add3A_463 : vector<16xi32>
    %select_n3A_465 = arith.select %lt3A_461, %add3A_464, %max3A_56 : vector<16xi1>, vector<16xi32>
    %broadcast_in_dim3A_466 = vector.shape_cast %select_n3A_465 : vector<16xi32> to vector<16x1xi32>
    %gather3A_467 = vector.shape_cast %broadcast_in_dim3A_466 : vector<16x1xi32> to vector<16xi32>
    %gather3A_468 = tpu.dynamic_gather %get3A_455[%gather3A_467] in [0] : vector<16xi32>, vector<16xi32> -> vector<16xi32>
    %select_n3A_469 = arith.select %eq3A_458, %gather3A_429, %gather3A_468 : vector<16xi1>, vector<16xi32>
    %broadcast_in_dim3A_470 = arith.constant 0 : i32
    %broadcast_in_dim3A_471 = vector.broadcast %broadcast_in_dim3A_470 : i32 to vector<16xi32>
    %add3A_472 = arith.constant 15 : i32
    %add3A_473 = vector.broadcast %add3A_472 : i32 to vector<16xi32>
    %add3A_474 = arith.addi %broadcast_in_dim3A_471, %add3A_473 : vector<16xi32>
    %lt3A_475 = arith.constant 0 : i32
    %lt3A_476 = vector.broadcast %lt3A_475 : i32 to vector<16xi32>
    %lt3A_477 = arith.cmpi slt, %add3A_474, %lt3A_476 : vector<16xi32>
    %add3A_478 = arith.constant 16 : i32
    %add3A_479 = vector.broadcast %add3A_478 : i32 to vector<16xi32>
    %add3A_480 = arith.addi %add3A_474, %add3A_479 : vector<16xi32>
    %select_n3A_481 = arith.select %lt3A_477, %add3A_480, %add3A_474 : vector<16xi1>, vector<16xi32>
    %broadcast_in_dim3A_482 = vector.shape_cast %select_n3A_481 : vector<16xi32> to vector<16x1xi32>
    %gather3A_483 = vector.shape_cast %broadcast_in_dim3A_482 : vector<16x1xi32> to vector<16xi32>
    %gather3A_484 = tpu.dynamic_gather %get3A_455[%gather3A_483] in [0] : vector<16xi32>, vector<16xi32> -> vector<16xi32>
    %eq3A_485 = arith.constant 0 : i32
    %eq3A_486 = vector.broadcast %eq3A_485 : i32 to vector<16xi32>
    %eq3A_487 = arith.cmpi eq, %add3A_450, %eq3A_486 : vector<16xi32>
    %jit3A_488 = arith.constant 126 : i32
    %broadcast_in_dim3A_489 = vector.broadcast %jit3A_488 : i32 to vector<16xi32>
    %select_n3A_490 = arith.select %eq3A_487, %broadcast_in_dim3A_489, %select_n3A_469 : vector<16xi1>, vector<16xi32>
    %ge3A_491 = arith.cmpi sge, %add3A_450, %gather3A_67 : vector<16xi32>
    %jit3A_492 = arith.constant 127 : i32
    %broadcast_in_dim3A_493 = vector.broadcast %jit3A_492 : i32 to vector<16xi32>
    %select_n3A_494 = arith.select %ge3A_491, %broadcast_in_dim3A_493, %get3A_455 : vector<16xi1>, vector<16xi32>
    %mul3A_495 = arith.constant 128 : i32
    %mul3A_496 = vector.broadcast %mul3A_495 : i32 to vector<16xi32>
    %mul3A_497 = arith.muli %select_n3A_494, %mul3A_496 : vector<16xi32>
    %add3A_498 = arith.addi %mul3A_497, %select_n3A_490 : vector<16xi32>
    %swap3A_499 = arith.constant 16 : index
    %swap3A_500 = tpu.vector_load %arg10[%swap3A_499] {strides = array<i32>} : memref<256xi32, #tpu.memory_space<vmem>>, vector<16xi32>,
    %swap3A_501 = vector.shape_cast %swap3A_500 : vector<16xi32> to vector<16xi32>
    %swap3A_502 = vector.shape_cast %add3A_498 : vector<16xi32> to vector<16xi32>
    tpu.vector_store %arg10[%swap3A_499], %swap3A_502 {strides = array<i32>} : memref<256xi32, #tpu.memory_space<vmem>>, vector<16xi32>,
    %add3A_503 = arith.constant 32 : i32
    %add3A_504 = arith.addi %add3A_503, %mul3A_69 : i32
    %add3A_505 = vector.broadcast %add3A_504 : i32 to vector<16xi32>
    %add3A_506 = arith.addi %iota3A, %add3A_505 : vector<16xi32>
    %add3A_507 = arith.constant 32 : i32
    %add3A_508 = arith.addi %mul3A_69, %add3A_507 : i32
    %get3A_509 = arith.index_cast %add3A_508 : i32 to index
    %get3A_510 = tpu.vector_load %arg7[%get3A_509] {strides = array<i32>} : memref<512xi32, #tpu.memory_space<vmem>>, vector<16xi32>,
    %get3A_511 = vector.shape_cast %get3A_510 : vector<16xi32> to vector<16xi32>
    %eq3A_512 = arith.constant 0 : i32
    %eq3A_513 = vector.broadcast %eq3A_512 : i32 to vector<16xi32>
    %eq3A_514 = arith.cmpi eq, %iota3A, %eq3A_513 : vector<16xi32>
    %lt3A_515 = arith.constant 0 : i32
    %lt3A_516 = vector.broadcast %lt3A_515 : i32 to vector<16xi32>
    %lt3A_517 = arith.cmpi slt, %max3A_56, %lt3A_516 : vector<16xi32>
    %add3A_518 = arith.constant 16 : i32
    %add3A_519 = vector.broadcast %add3A_518 : i32 to vector<16xi32>
    %add3A_520 = arith.addi %max3A_56, %add3A_519 : vector<16xi32>
    %select_n3A_521 = arith.select %lt3A_517, %add3A_520, %max3A_56 : vector<16xi1>, vector<16xi32>
    %broadcast_in_dim3A_522 = vector.shape_cast %select_n3A_521 : vector<16xi32> to vector<16x1xi32>
    %gather3A_523 = vector.shape_cast %broadcast_in_dim3A_522 : vector<16x1xi32> to vector<16xi32>
    %gather3A_524 = tpu.dynamic_gather %get3A_511[%gather3A_523] in [0] : vector<16xi32>, vector<16xi32> -> vector<16xi32>
    %select_n3A_525 = arith.select %eq3A_514, %gather3A_484, %gather3A_524 : vector<16xi1>, vector<16xi32>
    %broadcast_in_dim3A_526 = arith.constant 0 : i32
    %broadcast_in_dim3A_527 = vector.broadcast %broadcast_in_dim3A_526 : i32 to vector<16xi32>
    %add3A_528 = arith.constant 15 : i32
    %add3A_529 = vector.broadcast %add3A_528 : i32 to vector<16xi32>
    %add3A_530 = arith.addi %broadcast_in_dim3A_527, %add3A_529 : vector<16xi32>
    %lt3A_531 = arith.constant 0 : i32
    %lt3A_532 = vector.broadcast %lt3A_531 : i32 to vector<16xi32>
    %lt3A_533 = arith.cmpi slt, %add3A_530, %lt3A_532 : vector<16xi32>
    %add3A_534 = arith.constant 16 : i32
    %add3A_535 = vector.broadcast %add3A_534 : i32 to vector<16xi32>
    %add3A_536 = arith.addi %add3A_530, %add3A_535 : vector<16xi32>
    %select_n3A_537 = arith.select %lt3A_533, %add3A_536, %add3A_530 : vector<16xi1>, vector<16xi32>
    %broadcast_in_dim3A_538 = vector.shape_cast %select_n3A_537 : vector<16xi32> to vector<16x1xi32>
    %gather3A_539 = vector.shape_cast %broadcast_in_dim3A_538 : vector<16x1xi32> to vector<16xi32>
    %gather3A_540 = tpu.dynamic_gather %get3A_511[%gather3A_539] in [0] : vector<16xi32>, vector<16xi32> -> vector<16xi32>
    %eq3A_541 = arith.constant 0 : i32
    %eq3A_542 = vector.broadcast %eq3A_541 : i32 to vector<16xi32>
    %eq3A_543 = arith.cmpi eq, %add3A_506, %eq3A_542 : vector<16xi32>
    %jit3A_544 = arith.constant 126 : i32
    %broadcast_in_dim3A_545 = vector.broadcast %jit3A_544 : i32 to vector<16xi32>
    %select_n3A_546 = arith.select %eq3A_543, %broadcast_in_dim3A_545, %select_n3A_525 : vector<16xi1>, vector<16xi32>
    %ge3A_547 = arith.cmpi sge, %add3A_506, %gather3A_67 : vector<16xi32>
    %jit3A_548 = arith.constant 127 : i32
    %broadcast_in_dim3A_549 = vector.broadcast %jit3A_548 : i32 to vector<16xi32>
    %select_n3A_550 = arith.select %ge3A_547, %broadcast_in_dim3A_549, %get3A_511 : vector<16xi1>, vector<16xi32>
    %mul3A_551 = arith.constant 128 : i32
    %mul3A_552 = vector.broadcast %mul3A_551 : i32 to vector<16xi32>
    %mul3A_553 = arith.muli %select_n3A_550, %mul3A_552 : vector<16xi32>
    %add3A_554 = arith.addi %mul3A_553, %select_n3A_546 : vector<16xi32>
    %swap3A_555 = arith.constant 32 : index
    %swap3A_556 = tpu.vector_load %arg10[%swap3A_555] {strides = array<i32>} : memref<256xi32, #tpu.memory_space<vmem>>, vector<16xi32>,
    %swap3A_557 = vector.shape_cast %swap3A_556 : vector<16xi32> to vector<16xi32>
    %swap3A_558 = vector.shape_cast %add3A_554 : vector<16xi32> to vector<16xi32>
    tpu.vector_store %arg10[%swap3A_555], %swap3A_558 {strides = array<i32>} : memref<256xi32, #tpu.memory_space<vmem>>, vector<16xi32>,
    %add3A_559 = arith.constant 48 : i32
    %add3A_560 = arith.addi %add3A_559, %mul3A_69 : i32
    %add3A_561 = vector.broadcast %add3A_560 : i32 to vector<16xi32>
    %add3A_562 = arith.addi %iota3A, %add3A_561 : vector<16xi32>
    %add3A_563 = arith.constant 48 : i32
    %add3A_564 = arith.addi %mul3A_69, %add3A_563 : i32
    %get3A_565 = arith.index_cast %add3A_564 : i32 to index
    %get3A_566 = tpu.vector_load %arg7[%get3A_565] {strides = array<i32>} : memref<512xi32, #tpu.memory_space<vmem>>, vector<16xi32>,
    %get3A_567 = vector.shape_cast %get3A_566 : vector<16xi32> to vector<16xi32>
    %eq3A_568 = arith.constant 0 : i32
    %eq3A_569 = vector.broadcast %eq3A_568 : i32 to vector<16xi32>
    %eq3A_570 = arith.cmpi eq, %iota3A, %eq3A_569 : vector<16xi32>
    %lt3A_571 = arith.constant 0 : i32
    %lt3A_572 = vector.broadcast %lt3A_571 : i32 to vector<16xi32>
    %lt3A_573 = arith.cmpi slt, %max3A_56, %lt3A_572 : vector<16xi32>
    %add3A_574 = arith.constant 16 : i32
    %add3A_575 = vector.broadcast %add3A_574 : i32 to vector<16xi32>
    %add3A_576 = arith.addi %max3A_56, %add3A_575 : vector<16xi32>
    %select_n3A_577 = arith.select %lt3A_573, %add3A_576, %max3A_56 : vector<16xi1>, vector<16xi32>
    %broadcast_in_dim3A_578 = vector.shape_cast %select_n3A_577 : vector<16xi32> to vector<16x1xi32>
    %gather3A_579 = vector.shape_cast %broadcast_in_dim3A_578 : vector<16x1xi32> to vector<16xi32>
    %gather3A_580 = tpu.dynamic_gather %get3A_567[%gather3A_579] in [0] : vector<16xi32>, vector<16xi32> -> vector<16xi32>
    %select_n3A_581 = arith.select %eq3A_570, %gather3A_540, %gather3A_580 : vector<16xi1>, vector<16xi32>
    %broadcast_in_dim3A_582 = arith.constant 0 : i32
    %broadcast_in_dim3A_583 = vector.broadcast %broadcast_in_dim3A_582 : i32 to vector<16xi32>
    %add3A_584 = arith.constant 15 : i32
    %add3A_585 = vector.broadcast %add3A_584 : i32 to vector<16xi32>
    %add3A_586 = arith.addi %broadcast_in_dim3A_583, %add3A_585 : vector<16xi32>
    %lt3A_587 = arith.constant 0 : i32
    %lt3A_588 = vector.broadcast %lt3A_587 : i32 to vector<16xi32>
    %lt3A_589 = arith.cmpi slt, %add3A_586, %lt3A_588 : vector<16xi32>
    %add3A_590 = arith.constant 16 : i32
    %add3A_591 = vector.broadcast %add3A_590 : i32 to vector<16xi32>
    %add3A_592 = arith.addi %add3A_586, %add3A_591 : vector<16xi32>
    %select_n3A_593 = arith.select %lt3A_589, %add3A_592, %add3A_586 : vector<16xi1>, vector<16xi32>
    %broadcast_in_dim3A_594 = vector.shape_cast %select_n3A_593 : vector<16xi32> to vector<16x1xi32>
    %gather3A_595 = vector.shape_cast %broadcast_in_dim3A_594 : vector<16x1xi32> to vector<16xi32>
    %gather3A_596 = tpu.dynamic_gather %get3A_567[%gather3A_595] in [0] : vector<16xi32>, vector<16xi32> -> vector<16xi32>
    %eq3A_597 = arith.constant 0 : i32
    %eq3A_598 = vector.broadcast %eq3A_597 : i32 to vector<16xi32>
    %eq3A_599 = arith.cmpi eq, %add3A_562, %eq3A_598 : vector<16xi32>
    %jit3A_600 = arith.constant 126 : i32
    %broadcast_in_dim3A_601 = vector.broadcast %jit3A_600 : i32 to vector<16xi32>
    %select_n3A_602 = arith.select %eq3A_599, %broadcast_in_dim3A_601, %select_n3A_581 : vector<16xi1>, vector<16xi32>
    %ge3A_603 = arith.cmpi sge, %add3A_562, %gather3A_67 : vector<16xi32>
    %jit3A_604 = arith.constant 127 : i32
    %broadcast_in_dim3A_605 = vector.broadcast %jit3A_604 : i32 to vector<16xi32>
    %select_n3A_606 = arith.select %ge3A_603, %broadcast_in_dim3A_605, %get3A_567 : vector<16xi1>, vector<16xi32>
    %mul3A_607 = arith.constant 128 : i32
    %mul3A_608 = vector.broadcast %mul3A_607 : i32 to vector<16xi32>
    %mul3A_609 = arith.muli %select_n3A_606, %mul3A_608 : vector<16xi32>
    %add3A_610 = arith.addi %mul3A_609, %select_n3A_602 : vector<16xi32>
    %swap3A_611 = arith.constant 48 : index
    %swap3A_612 = tpu.vector_load %arg10[%swap3A_611] {strides = array<i32>} : memref<256xi32, #tpu.memory_space<vmem>>, vector<16xi32>,
    %swap3A_613 = vector.shape_cast %swap3A_612 : vector<16xi32> to vector<16xi32>
    %swap3A_614 = vector.shape_cast %add3A_610 : vector<16xi32> to vector<16xi32>
    tpu.vector_store %arg10[%swap3A_611], %swap3A_614 {strides = array<i32>} : memref<256xi32, #tpu.memory_space<vmem>>, vector<16xi32>,
    %add3A_615 = arith.constant 64 : i32
    %add3A_616 = arith.addi %add3A_615, %mul3A_69 : i32
    %add3A_617 = vector.broadcast %add3A_616 : i32 to vector<16xi32>
    %add3A_618 = arith.addi %iota3A, %add3A_617 : vector<16xi32>
    %add3A_619 = arith.constant 64 : i32
    %add3A_620 = arith.addi %mul3A_69, %add3A_619 : i32
    %get3A_621 = arith.index_cast %add3A_620 : i32 to index
    %get3A_622 = tpu.vector_load %arg7[%get3A_621] {strides = array<i32>} : memref<512xi32, #tpu.memory_space<vmem>>, vector<16xi32>,
    %get3A_623 = vector.shape_cast %get3A_622 : vector<16xi32> to vector<16xi32>
    %eq3A_624 = arith.constant 0 : i32
    %eq3A_625 = vector.broadcast %eq3A_624 : i32 to vector<16xi32>
    %eq3A_626 = arith.cmpi eq, %iota3A, %eq3A_625 : vector<16xi32>
    %lt3A_627 = arith.constant 0 : i32
    %lt3A_628 = vector.broadcast %lt3A_627 : i32 to vector<16xi32>
    %lt3A_629 = arith.cmpi slt, %max3A_56, %lt3A_628 : vector<16xi32>
    %add3A_630 = arith.constant 16 : i32
    %add3A_631 = vector.broadcast %add3A_630 : i32 to vector<16xi32>
    %add3A_632 = arith.addi %max3A_56, %add3A_631 : vector<16xi32>
    %select_n3A_633 = arith.select %lt3A_629, %add3A_632, %max3A_56 : vector<16xi1>, vector<16xi32>
    %broadcast_in_dim3A_634 = vector.shape_cast %select_n3A_633 : vector<16xi32> to vector<16x1xi32>
    %gather3A_635 = vector.shape_cast %broadcast_in_dim3A_634 : vector<16x1xi32> to vector<16xi32>
    %gather3A_636 = tpu.dynamic_gather %get3A_623[%gather3A_635] in [0] : vector<16xi32>, vector<16xi32> -> vector<16xi32>
    %select_n3A_637 = arith.select %eq3A_626, %gather3A_596, %gather3A_636 : vector<16xi1>, vector<16xi32>
    %broadcast_in_dim3A_638 = arith.constant 0 : i32
    %broadcast_in_dim3A_639 = vector.broadcast %broadcast_in_dim3A_638 : i32 to vector<16xi32>
    %add3A_640 = arith.constant 15 : i32
    %add3A_641 = vector.broadcast %add3A_640 : i32 to vector<16xi32>
    %add3A_642 = arith.addi %broadcast_in_dim3A_639, %add3A_641 : vector<16xi32>
    %lt3A_643 = arith.constant 0 : i32
    %lt3A_644 = vector.broadcast %lt3A_643 : i32 to vector<16xi32>
    %lt3A_645 = arith.cmpi slt, %add3A_642, %lt3A_644 : vector<16xi32>
    %add3A_646 = arith.constant 16 : i32
    %add3A_647 = vector.broadcast %add3A_646 : i32 to vector<16xi32>
    %add3A_648 = arith.addi %add3A_642, %add3A_647 : vector<16xi32>
    %select_n3A_649 = arith.select %lt3A_645, %add3A_648, %add3A_642 : vector<16xi1>, vector<16xi32>
    %broadcast_in_dim3A_650 = vector.shape_cast %select_n3A_649 : vector<16xi32> to vector<16x1xi32>
    %gather3A_651 = vector.shape_cast %broadcast_in_dim3A_650 : vector<16x1xi32> to vector<16xi32>
    %gather3A_652 = tpu.dynamic_gather %get3A_623[%gather3A_651] in [0] : vector<16xi32>, vector<16xi32> -> vector<16xi32>
    %eq3A_653 = arith.constant 0 : i32
    %eq3A_654 = vector.broadcast %eq3A_653 : i32 to vector<16xi32>
    %eq3A_655 = arith.cmpi eq, %add3A_618, %eq3A_654 : vector<16xi32>
    %jit3A_656 = arith.constant 126 : i32
    %broadcast_in_dim3A_657 = vector.broadcast %jit3A_656 : i32 to vector<16xi32>
    %select_n3A_658 = arith.select %eq3A_655, %broadcast_in_dim3A_657, %select_n3A_637 : vector<16xi1>, vector<16xi32>
    %ge3A_659 = arith.cmpi sge, %add3A_618, %gather3A_67 : vector<16xi32>
    %jit3A_660 = arith.constant 127 : i32
    %broadcast_in_dim3A_661 = vector.broadcast %jit3A_660 : i32 to vector<16xi32>
    %select_n3A_662 = arith.select %ge3A_659, %broadcast_in_dim3A_661, %get3A_623 : vector<16xi1>, vector<16xi32>
    %mul3A_663 = arith.constant 128 : i32
    %mul3A_664 = vector.broadcast %mul3A_663 : i32 to vector<16xi32>
    %mul3A_665 = arith.muli %select_n3A_662, %mul3A_664 : vector<16xi32>
    %add3A_666 = arith.addi %mul3A_665, %select_n3A_658 : vector<16xi32>
    %swap3A_667 = arith.constant 64 : index
    %swap3A_668 = tpu.vector_load %arg10[%swap3A_667] {strides = array<i32>} : memref<256xi32, #tpu.memory_space<vmem>>, vector<16xi32>,
    %swap3A_669 = vector.shape_cast %swap3A_668 : vector<16xi32> to vector<16xi32>
    %swap3A_670 = vector.shape_cast %add3A_666 : vector<16xi32> to vector<16xi32>
    tpu.vector_store %arg10[%swap3A_667], %swap3A_670 {strides = array<i32>} : memref<256xi32, #tpu.memory_space<vmem>>, vector<16xi32>,
    %add3A_671 = arith.constant 80 : i32
    %add3A_672 = arith.addi %add3A_671, %mul3A_69 : i32
    %add3A_673 = vector.broadcast %add3A_672 : i32 to vector<16xi32>
    %add3A_674 = arith.addi %iota3A, %add3A_673 : vector<16xi32>
    %add3A_675 = arith.constant 80 : i32
    %add3A_676 = arith.addi %mul3A_69, %add3A_675 : i32
    %get3A_677 = arith.index_cast %add3A_676 : i32 to index
    %get3A_678 = tpu.vector_load %arg7[%get3A_677] {strides = array<i32>} : memref<512xi32, #tpu.memory_space<vmem>>, vector<16xi32>,
    %get3A_679 = vector.shape_cast %get3A_678 : vector<16xi32> to vector<16xi32>
    %eq3A_680 = arith.constant 0 : i32
    %eq3A_681 = vector.broadcast %eq3A_680 : i32 to vector<16xi32>
    %eq3A_682 = arith.cmpi eq, %iota3A, %eq3A_681 : vector<16xi32>
    %lt3A_683 = arith.constant 0 : i32
    %lt3A_684 = vector.broadcast %lt3A_683 : i32 to vector<16xi32>
    %lt3A_685 = arith.cmpi slt, %max3A_56, %lt3A_684 : vector<16xi32>
    %add3A_686 = arith.constant 16 : i32
    %add3A_687 = vector.broadcast %add3A_686 : i32 to vector<16xi32>
    %add3A_688 = arith.addi %max3A_56, %add3A_687 : vector<16xi32>
    %select_n3A_689 = arith.select %lt3A_685, %add3A_688, %max3A_56 : vector<16xi1>, vector<16xi32>
    %broadcast_in_dim3A_690 = vector.shape_cast %select_n3A_689 : vector<16xi32> to vector<16x1xi32>
    %gather3A_691 = vector.shape_cast %broadcast_in_dim3A_690 : vector<16x1xi32> to vector<16xi32>
    %gather3A_692 = tpu.dynamic_gather %get3A_679[%gather3A_691] in [0] : vector<16xi32>, vector<16xi32> -> vector<16xi32>
    %select_n3A_693 = arith.select %eq3A_682, %gather3A_652, %gather3A_692 : vector<16xi1>, vector<16xi32>
    %broadcast_in_dim3A_694 = arith.constant 0 : i32
    %broadcast_in_dim3A_695 = vector.broadcast %broadcast_in_dim3A_694 : i32 to vector<16xi32>
    %add3A_696 = arith.constant 15 : i32
    %add3A_697 = vector.broadcast %add3A_696 : i32 to vector<16xi32>
    %add3A_698 = arith.addi %broadcast_in_dim3A_695, %add3A_697 : vector<16xi32>
    %lt3A_699 = arith.constant 0 : i32
    %lt3A_700 = vector.broadcast %lt3A_699 : i32 to vector<16xi32>
    %lt3A_701 = arith.cmpi slt, %add3A_698, %lt3A_700 : vector<16xi32>
    %add3A_702 = arith.constant 16 : i32
    %add3A_703 = vector.broadcast %add3A_702 : i32 to vector<16xi32>
    %add3A_704 = arith.addi %add3A_698, %add3A_703 : vector<16xi32>
    %select_n3A_705 = arith.select %lt3A_701, %add3A_704, %add3A_698 : vector<16xi1>, vector<16xi32>
    %broadcast_in_dim3A_706 = vector.shape_cast %select_n3A_705 : vector<16xi32> to vector<16x1xi32>
    %gather3A_707 = vector.shape_cast %broadcast_in_dim3A_706 : vector<16x1xi32> to vector<16xi32>
    %gather3A_708 = tpu.dynamic_gather %get3A_679[%gather3A_707] in [0] : vector<16xi32>, vector<16xi32> -> vector<16xi32>
    %eq3A_709 = arith.constant 0 : i32
    %eq3A_710 = vector.broadcast %eq3A_709 : i32 to vector<16xi32>
    %eq3A_711 = arith.cmpi eq, %add3A_674, %eq3A_710 : vector<16xi32>
    %jit3A_712 = arith.constant 126 : i32
    %broadcast_in_dim3A_713 = vector.broadcast %jit3A_712 : i32 to vector<16xi32>
    %select_n3A_714 = arith.select %eq3A_711, %broadcast_in_dim3A_713, %select_n3A_693 : vector<16xi1>, vector<16xi32>
    %ge3A_715 = arith.cmpi sge, %add3A_674, %gather3A_67 : vector<16xi32>
    %jit3A_716 = arith.constant 127 : i32
    %broadcast_in_dim3A_717 = vector.broadcast %jit3A_716 : i32 to vector<16xi32>
    %select_n3A_718 = arith.select %ge3A_715, %broadcast_in_dim3A_717, %get3A_679 : vector<16xi1>, vector<16xi32>
    %mul3A_719 = arith.constant 128 : i32
    %mul3A_720 = vector.broadcast %mul3A_719 : i32 to vector<16xi32>
    %mul3A_721 = arith.muli %select_n3A_718, %mul3A_720 : vector<16xi32>
    %add3A_722 = arith.addi %mul3A_721, %select_n3A_714 : vector<16xi32>
    %swap3A_723 = arith.constant 80 : index
    %swap3A_724 = tpu.vector_load %arg10[%swap3A_723] {strides = array<i32>} : memref<256xi32, #tpu.memory_space<vmem>>, vector<16xi32>,
    %swap3A_725 = vector.shape_cast %swap3A_724 : vector<16xi32> to vector<16xi32>
    %swap3A_726 = vector.shape_cast %add3A_722 : vector<16xi32> to vector<16xi32>
    tpu.vector_store %arg10[%swap3A_723], %swap3A_726 {strides = array<i32>} : memref<256xi32, #tpu.memory_space<vmem>>, vector<16xi32>,
    %add3A_727 = arith.constant 96 : i32
    %add3A_728 = arith.addi %add3A_727, %mul3A_69 : i32
    %add3A_729 = vector.broadcast %add3A_728 : i32 to vector<16xi32>
    %add3A_730 = arith.addi %iota3A, %add3A_729 : vector<16xi32>
    %add3A_731 = arith.constant 96 : i32
    %add3A_732 = arith.addi %mul3A_69, %add3A_731 : i32
    %get3A_733 = arith.index_cast %add3A_732 : i32 to index
    %get3A_734 = tpu.vector_load %arg7[%get3A_733] {strides = array<i32>} : memref<512xi32, #tpu.memory_space<vmem>>, vector<16xi32>,
    %get3A_735 = vector.shape_cast %get3A_734 : vector<16xi32> to vector<16xi32>
    %eq3A_736 = arith.constant 0 : i32
    %eq3A_737 = vector.broadcast %eq3A_736 : i32 to vector<16xi32>
    %eq3A_738 = arith.cmpi eq, %iota3A, %eq3A_737 : vector<16xi32>
    %lt3A_739 = arith.constant 0 : i32
    %lt3A_740 = vector.broadcast %lt3A_739 : i32 to vector<16xi32>
    %lt3A_741 = arith.cmpi slt, %max3A_56, %lt3A_740 : vector<16xi32>
    %add3A_742 = arith.constant 16 : i32
    %add3A_743 = vector.broadcast %add3A_742 : i32 to vector<16xi32>
    %add3A_744 = arith.addi %max3A_56, %add3A_743 : vector<16xi32>
    %select_n3A_745 = arith.select %lt3A_741, %add3A_744, %max3A_56 : vector<16xi1>, vector<16xi32>
    %broadcast_in_dim3A_746 = vector.shape_cast %select_n3A_745 : vector<16xi32> to vector<16x1xi32>
    %gather3A_747 = vector.shape_cast %broadcast_in_dim3A_746 : vector<16x1xi32> to vector<16xi32>
    %gather3A_748 = tpu.dynamic_gather %get3A_735[%gather3A_747] in [0] : vector<16xi32>, vector<16xi32> -> vector<16xi32>
    %select_n3A_749 = arith.select %eq3A_738, %gather3A_708, %gather3A_748 : vector<16xi1>, vector<16xi32>
    %broadcast_in_dim3A_750 = arith.constant 0 : i32
    %broadcast_in_dim3A_751 = vector.broadcast %broadcast_in_dim3A_750 : i32 to vector<16xi32>
    %add3A_752 = arith.constant 15 : i32
    %add3A_753 = vector.broadcast %add3A_752 : i32 to vector<16xi32>
    %add3A_754 = arith.addi %broadcast_in_dim3A_751, %add3A_753 : vector<16xi32>
    %lt3A_755 = arith.constant 0 : i32
    %lt3A_756 = vector.broadcast %lt3A_755 : i32 to vector<16xi32>
    %lt3A_757 = arith.cmpi slt, %add3A_754, %lt3A_756 : vector<16xi32>
    %add3A_758 = arith.constant 16 : i32
    %add3A_759 = vector.broadcast %add3A_758 : i32 to vector<16xi32>
    %add3A_760 = arith.addi %add3A_754, %add3A_759 : vector<16xi32>
    %select_n3A_761 = arith.select %lt3A_757, %add3A_760, %add3A_754 : vector<16xi1>, vector<16xi32>
    %broadcast_in_dim3A_762 = vector.shape_cast %select_n3A_761 : vector<16xi32> to vector<16x1xi32>
    %gather3A_763 = vector.shape_cast %broadcast_in_dim3A_762 : vector<16x1xi32> to vector<16xi32>
    %gather3A_764 = tpu.dynamic_gather %get3A_735[%gather3A_763] in [0] : vector<16xi32>, vector<16xi32> -> vector<16xi32>
    %eq3A_765 = arith.constant 0 : i32
    %eq3A_766 = vector.broadcast %eq3A_765 : i32 to vector<16xi32>
    %eq3A_767 = arith.cmpi eq, %add3A_730, %eq3A_766 : vector<16xi32>
    %jit3A_768 = arith.constant 126 : i32
    %broadcast_in_dim3A_769 = vector.broadcast %jit3A_768 : i32 to vector<16xi32>
    %select_n3A_770 = arith.select %eq3A_767, %broadcast_in_dim3A_769, %select_n3A_749 : vector<16xi1>, vector<16xi32>
    %ge3A_771 = arith.cmpi sge, %add3A_730, %gather3A_67 : vector<16xi32>
    %jit3A_772 = arith.constant 127 : i32
    %broadcast_in_dim3A_773 = vector.broadcast %jit3A_772 : i32 to vector<16xi32>
    %select_n3A_774 = arith.select %ge3A_771, %broadcast_in_dim3A_773, %get3A_735 : vector<16xi1>, vector<16xi32>
    %mul3A_775 = arith.constant 128 : i32
    %mul3A_776 = vector.broadcast %mul3A_775 : i32 to vector<16xi32>
    %mul3A_777 = arith.muli %select_n3A_774, %mul3A_776 : vector<16xi32>
    %add3A_778 = arith.addi %mul3A_777, %select_n3A_770 : vector<16xi32>
    %swap3A_779 = arith.constant 96 : index
    %swap3A_780 = tpu.vector_load %arg10[%swap3A_779] {strides = array<i32>} : memref<256xi32, #tpu.memory_space<vmem>>, vector<16xi32>,
    %swap3A_781 = vector.shape_cast %swap3A_780 : vector<16xi32> to vector<16xi32>
    %swap3A_782 = vector.shape_cast %add3A_778 : vector<16xi32> to vector<16xi32>
    tpu.vector_store %arg10[%swap3A_779], %swap3A_782 {strides = array<i32>} : memref<256xi32, #tpu.memory_space<vmem>>, vector<16xi32>,
    %add3A_783 = arith.constant 112 : i32
    %add3A_784 = arith.addi %add3A_783, %mul3A_69 : i32
    %add3A_785 = vector.broadcast %add3A_784 : i32 to vector<16xi32>
    %add3A_786 = arith.addi %iota3A, %add3A_785 : vector<16xi32>
    %add3A_787 = arith.constant 112 : i32
    %add3A_788 = arith.addi %mul3A_69, %add3A_787 : i32
    %get3A_789 = arith.index_cast %add3A_788 : i32 to index
    %get3A_790 = tpu.vector_load %arg7[%get3A_789] {strides = array<i32>} : memref<512xi32, #tpu.memory_space<vmem>>, vector<16xi32>,
    %get3A_791 = vector.shape_cast %get3A_790 : vector<16xi32> to vector<16xi32>
    %eq3A_792 = arith.constant 0 : i32
    %eq3A_793 = vector.broadcast %eq3A_792 : i32 to vector<16xi32>
    %eq3A_794 = arith.cmpi eq, %iota3A, %eq3A_793 : vector<16xi32>
    %lt3A_795 = arith.constant 0 : i32
    %lt3A_796 = vector.broadcast %lt3A_795 : i32 to vector<16xi32>
    %lt3A_797 = arith.cmpi slt, %max3A_56, %lt3A_796 : vector<16xi32>
    %add3A_798 = arith.constant 16 : i32
    %add3A_799 = vector.broadcast %add3A_798 : i32 to vector<16xi32>
    %add3A_800 = arith.addi %max3A_56, %add3A_799 : vector<16xi32>
    %select_n3A_801 = arith.select %lt3A_797, %add3A_800, %max3A_56 : vector<16xi1>, vector<16xi32>
    %broadcast_in_dim3A_802 = vector.shape_cast %select_n3A_801 : vector<16xi32> to vector<16x1xi32>
    %gather3A_803 = vector.shape_cast %broadcast_in_dim3A_802 : vector<16x1xi32> to vector<16xi32>
    %gather3A_804 = tpu.dynamic_gather %get3A_791[%gather3A_803] in [0] : vector<16xi32>, vector<16xi32> -> vector<16xi32>
    %select_n3A_805 = arith.select %eq3A_794, %gather3A_764, %gather3A_804 : vector<16xi1>, vector<16xi32>
    %broadcast_in_dim3A_806 = arith.constant 0 : i32
    %broadcast_in_dim3A_807 = vector.broadcast %broadcast_in_dim3A_806 : i32 to vector<16xi32>
    %add3A_808 = arith.constant 15 : i32
    %add3A_809 = vector.broadcast %add3A_808 : i32 to vector<16xi32>
    %add3A_810 = arith.addi %broadcast_in_dim3A_807, %add3A_809 : vector<16xi32>
    %lt3A_811 = arith.constant 0 : i32
    %lt3A_812 = vector.broadcast %lt3A_811 : i32 to vector<16xi32>
    %lt3A_813 = arith.cmpi slt, %add3A_810, %lt3A_812 : vector<16xi32>
    %add3A_814 = arith.constant 16 : i32
    %add3A_815 = vector.broadcast %add3A_814 : i32 to vector<16xi32>
    %add3A_816 = arith.addi %add3A_810, %add3A_815 : vector<16xi32>
    %select_n3A_817 = arith.select %lt3A_813, %add3A_816, %add3A_810 : vector<16xi1>, vector<16xi32>
    %broadcast_in_dim3A_818 = vector.shape_cast %select_n3A_817 : vector<16xi32> to vector<16x1xi32>
    %gather3A_819 = vector.shape_cast %broadcast_in_dim3A_818 : vector<16x1xi32> to vector<16xi32>
    %gather3A_820 = tpu.dynamic_gather %get3A_791[%gather3A_819] in [0] : vector<16xi32>, vector<16xi32> -> vector<16xi32>
    %eq3A_821 = arith.constant 0 : i32
    %eq3A_822 = vector.broadcast %eq3A_821 : i32 to vector<16xi32>
    %eq3A_823 = arith.cmpi eq, %add3A_786, %eq3A_822 : vector<16xi32>
    %jit3A_824 = arith.constant 126 : i32
    %broadcast_in_dim3A_825 = vector.broadcast %jit3A_824 : i32 to vector<16xi32>
    %select_n3A_826 = arith.select %eq3A_823, %broadcast_in_dim3A_825, %select_n3A_805 : vector<16xi1>, vector<16xi32>
    %ge3A_827 = arith.cmpi sge, %add3A_786, %gather3A_67 : vector<16xi32>
    %jit3A_828 = arith.constant 127 : i32
    %broadcast_in_dim3A_829 = vector.broadcast %jit3A_828 : i32 to vector<16xi32>
    %select_n3A_830 = arith.select %ge3A_827, %broadcast_in_dim3A_829, %get3A_791 : vector<16xi1>, vector<16xi32>
    %mul3A_831 = arith.constant 128 : i32
    %mul3A_832 = vector.broadcast %mul3A_831 : i32 to vector<16xi32>
    %mul3A_833 = arith.muli %select_n3A_830, %mul3A_832 : vector<16xi32>
    %add3A_834 = arith.addi %mul3A_833, %select_n3A_826 : vector<16xi32>
    %swap3A_835 = arith.constant 112 : index
    %swap3A_836 = tpu.vector_load %arg10[%swap3A_835] {strides = array<i32>} : memref<256xi32, #tpu.memory_space<vmem>>, vector<16xi32>,
    %swap3A_837 = vector.shape_cast %swap3A_836 : vector<16xi32> to vector<16xi32>
    %swap3A_838 = vector.shape_cast %add3A_834 : vector<16xi32> to vector<16xi32>
    tpu.vector_store %arg10[%swap3A_835], %swap3A_838 {strides = array<i32>} : memref<256xi32, #tpu.memory_space<vmem>>, vector<16xi32>,
    %add3A_839 = arith.constant 128 : i32
    %add3A_840 = arith.addi %add3A_839, %mul3A_69 : i32
    %add3A_841 = vector.broadcast %add3A_840 : i32 to vector<16xi32>
    %add3A_842 = arith.addi %iota3A, %add3A_841 : vector<16xi32>
    %add3A_843 = arith.constant 128 : i32
    %add3A_844 = arith.addi %mul3A_69, %add3A_843 : i32
    %get3A_845 = arith.index_cast %add3A_844 : i32 to index
    %get3A_846 = tpu.vector_load %arg7[%get3A_845] {strides = array<i32>} : memref<512xi32, #tpu.memory_space<vmem>>, vector<16xi32>,
    %get3A_847 = vector.shape_cast %get3A_846 : vector<16xi32> to vector<16xi32>
    %eq3A_848 = arith.constant 0 : i32
    %eq3A_849 = vector.broadcast %eq3A_848 : i32 to vector<16xi32>
    %eq3A_850 = arith.cmpi eq, %iota3A, %eq3A_849 : vector<16xi32>
    %lt3A_851 = arith.constant 0 : i32
    %lt3A_852 = vector.broadcast %lt3A_851 : i32 to vector<16xi32>
    %lt3A_853 = arith.cmpi slt, %max3A_56, %lt3A_852 : vector<16xi32>
    %add3A_854 = arith.constant 16 : i32
    %add3A_855 = vector.broadcast %add3A_854 : i32 to vector<16xi32>
    %add3A_856 = arith.addi %max3A_56, %add3A_855 : vector<16xi32>
    %select_n3A_857 = arith.select %lt3A_853, %add3A_856, %max3A_56 : vector<16xi1>, vector<16xi32>
    %broadcast_in_dim3A_858 = vector.shape_cast %select_n3A_857 : vector<16xi32> to vector<16x1xi32>
    %gather3A_859 = vector.shape_cast %broadcast_in_dim3A_858 : vector<16x1xi32> to vector<16xi32>
    %gather3A_860 = tpu.dynamic_gather %get3A_847[%gather3A_859] in [0] : vector<16xi32>, vector<16xi32> -> vector<16xi32>
    %select_n3A_861 = arith.select %eq3A_850, %gather3A_820, %gather3A_860 : vector<16xi1>, vector<16xi32>
    %broadcast_in_dim3A_862 = arith.constant 0 : i32
    %broadcast_in_dim3A_863 = vector.broadcast %broadcast_in_dim3A_862 : i32 to vector<16xi32>
    %add3A_864 = arith.constant 15 : i32
    %add3A_865 = vector.broadcast %add3A_864 : i32 to vector<16xi32>
    %add3A_866 = arith.addi %broadcast_in_dim3A_863, %add3A_865 : vector<16xi32>
    %lt3A_867 = arith.constant 0 : i32
    %lt3A_868 = vector.broadcast %lt3A_867 : i32 to vector<16xi32>
    %lt3A_869 = arith.cmpi slt, %add3A_866, %lt3A_868 : vector<16xi32>
    %add3A_870 = arith.constant 16 : i32
    %add3A_871 = vector.broadcast %add3A_870 : i32 to vector<16xi32>
    %add3A_872 = arith.addi %add3A_866, %add3A_871 : vector<16xi32>
    %select_n3A_873 = arith.select %lt3A_869, %add3A_872, %add3A_866 : vector<16xi1>, vector<16xi32>
    %broadcast_in_dim3A_874 = vector.shape_cast %select_n3A_873 : vector<16xi32> to vector<16x1xi32>
    %gather3A_875 = vector.shape_cast %broadcast_in_dim3A_874 : vector<16x1xi32> to vector<16xi32>
    %gather3A_876 = tpu.dynamic_gather %get3A_847[%gather3A_875] in [0] : vector<16xi32>, vector<16xi32> -> vector<16xi32>
    %eq3A_877 = arith.constant 0 : i32
    %eq3A_878 = vector.broadcast %eq3A_877 : i32 to vector<16xi32>
    %eq3A_879 = arith.cmpi eq, %add3A_842, %eq3A_878 : vector<16xi32>
    %jit3A_880 = arith.constant 126 : i32
    %broadcast_in_dim3A_881 = vector.broadcast %jit3A_880 : i32 to vector<16xi32>
    %select_n3A_882 = arith.select %eq3A_879, %broadcast_in_dim3A_881, %select_n3A_861 : vector<16xi1>, vector<16xi32>
    %ge3A_883 = arith.cmpi sge, %add3A_842, %gather3A_67 : vector<16xi32>
    %jit3A_884 = arith.constant 127 : i32
    %broadcast_in_dim3A_885 = vector.broadcast %jit3A_884 : i32 to vector<16xi32>
    %select_n3A_886 = arith.select %ge3A_883, %broadcast_in_dim3A_885, %get3A_847 : vector<16xi1>, vector<16xi32>
    %mul3A_887 = arith.constant 128 : i32
    %mul3A_888 = vector.broadcast %mul3A_887 : i32 to vector<16xi32>
    %mul3A_889 = arith.muli %select_n3A_886, %mul3A_888 : vector<16xi32>
    %add3A_890 = arith.addi %mul3A_889, %select_n3A_882 : vector<16xi32>
    %swap3A_891 = arith.constant 128 : index
    %swap3A_892 = tpu.vector_load %arg10[%swap3A_891] {strides = array<i32>} : memref<256xi32, #tpu.memory_space<vmem>>, vector<16xi32>,
    %swap3A_893 = vector.shape_cast %swap3A_892 : vector<16xi32> to vector<16xi32>
    %swap3A_894 = vector.shape_cast %add3A_890 : vector<16xi32> to vector<16xi32>
    tpu.vector_store %arg10[%swap3A_891], %swap3A_894 {strides = array<i32>} : memref<256xi32, #tpu.memory_space<vmem>>, vector<16xi32>,
    %add3A_895 = arith.constant 144 : i32
    %add3A_896 = arith.addi %add3A_895, %mul3A_69 : i32
    %add3A_897 = vector.broadcast %add3A_896 : i32 to vector<16xi32>
    %add3A_898 = arith.addi %iota3A, %add3A_897 : vector<16xi32>
    %add3A_899 = arith.constant 144 : i32
    %add3A_900 = arith.addi %mul3A_69, %add3A_899 : i32
    %get3A_901 = arith.index_cast %add3A_900 : i32 to index
    %get3A_902 = tpu.vector_load %arg7[%get3A_901] {strides = array<i32>} : memref<512xi32, #tpu.memory_space<vmem>>, vector<16xi32>,
    %get3A_903 = vector.shape_cast %get3A_902 : vector<16xi32> to vector<16xi32>
    %eq3A_904 = arith.constant 0 : i32
    %eq3A_905 = vector.broadcast %eq3A_904 : i32 to vector<16xi32>
    %eq3A_906 = arith.cmpi eq, %iota3A, %eq3A_905 : vector<16xi32>
    %lt3A_907 = arith.constant 0 : i32
    %lt3A_908 = vector.broadcast %lt3A_907 : i32 to vector<16xi32>
    %lt3A_909 = arith.cmpi slt, %max3A_56, %lt3A_908 : vector<16xi32>
    %add3A_910 = arith.constant 16 : i32
    %add3A_911 = vector.broadcast %add3A_910 : i32 to vector<16xi32>
    %add3A_912 = arith.addi %max3A_56, %add3A_911 : vector<16xi32>
    %select_n3A_913 = arith.select %lt3A_909, %add3A_912, %max3A_56 : vector<16xi1>, vector<16xi32>
    %broadcast_in_dim3A_914 = vector.shape_cast %select_n3A_913 : vector<16xi32> to vector<16x1xi32>
    %gather3A_915 = vector.shape_cast %broadcast_in_dim3A_914 : vector<16x1xi32> to vector<16xi32>
    %gather3A_916 = tpu.dynamic_gather %get3A_903[%gather3A_915] in [0] : vector<16xi32>, vector<16xi32> -> vector<16xi32>
    %select_n3A_917 = arith.select %eq3A_906, %gather3A_876, %gather3A_916 : vector<16xi1>, vector<16xi32>
    %broadcast_in_dim3A_918 = arith.constant 0 : i32
    %broadcast_in_dim3A_919 = vector.broadcast %broadcast_in_dim3A_918 : i32 to vector<16xi32>
    %add3A_920 = arith.constant 15 : i32
    %add3A_921 = vector.broadcast %add3A_920 : i32 to vector<16xi32>
    %add3A_922 = arith.addi %broadcast_in_dim3A_919, %add3A_921 : vector<16xi32>
    %lt3A_923 = arith.constant 0 : i32
    %lt3A_924 = vector.broadcast %lt3A_923 : i32 to vector<16xi32>
    %lt3A_925 = arith.cmpi slt, %add3A_922, %lt3A_924 : vector<16xi32>
    %add3A_926 = arith.constant 16 : i32
    %add3A_927 = vector.broadcast %add3A_926 : i32 to vector<16xi32>
    %add3A_928 = arith.addi %add3A_922, %add3A_927 : vector<16xi32>
    %select_n3A_929 = arith.select %lt3A_925, %add3A_928, %add3A_922 : vector<16xi1>, vector<16xi32>
    %broadcast_in_dim3A_930 = vector.shape_cast %select_n3A_929 : vector<16xi32> to vector<16x1xi32>
    %gather3A_931 = vector.shape_cast %broadcast_in_dim3A_930 : vector<16x1xi32> to vector<16xi32>
    %gather3A_932 = tpu.dynamic_gather %get3A_903[%gather3A_931] in [0] : vector<16xi32>, vector<16xi32> -> vector<16xi32>
    %eq3A_933 = arith.constant 0 : i32
    %eq3A_934 = vector.broadcast %eq3A_933 : i32 to vector<16xi32>
    %eq3A_935 = arith.cmpi eq, %add3A_898, %eq3A_934 : vector<16xi32>
    %jit3A_936 = arith.constant 126 : i32
    %broadcast_in_dim3A_937 = vector.broadcast %jit3A_936 : i32 to vector<16xi32>
    %select_n3A_938 = arith.select %eq3A_935, %broadcast_in_dim3A_937, %select_n3A_917 : vector<16xi1>, vector<16xi32>
    %ge3A_939 = arith.cmpi sge, %add3A_898, %gather3A_67 : vector<16xi32>
    %jit3A_940 = arith.constant 127 : i32
    %broadcast_in_dim3A_941 = vector.broadcast %jit3A_940 : i32 to vector<16xi32>
    %select_n3A_942 = arith.select %ge3A_939, %broadcast_in_dim3A_941, %get3A_903 : vector<16xi1>, vector<16xi32>
    %mul3A_943 = arith.constant 128 : i32
    %mul3A_944 = vector.broadcast %mul3A_943 : i32 to vector<16xi32>
    %mul3A_945 = arith.muli %select_n3A_942, %mul3A_944 : vector<16xi32>
    %add3A_946 = arith.addi %mul3A_945, %select_n3A_938 : vector<16xi32>
    %swap3A_947 = arith.constant 144 : index
    %swap3A_948 = tpu.vector_load %arg10[%swap3A_947] {strides = array<i32>} : memref<256xi32, #tpu.memory_space<vmem>>, vector<16xi32>,
    %swap3A_949 = vector.shape_cast %swap3A_948 : vector<16xi32> to vector<16xi32>
    %swap3A_950 = vector.shape_cast %add3A_946 : vector<16xi32> to vector<16xi32>
    tpu.vector_store %arg10[%swap3A_947], %swap3A_950 {strides = array<i32>} : memref<256xi32, #tpu.memory_space<vmem>>, vector<16xi32>,
    %add3A_951 = arith.constant 160 : i32
    %add3A_952 = arith.addi %add3A_951, %mul3A_69 : i32
    %add3A_953 = vector.broadcast %add3A_952 : i32 to vector<16xi32>
    %add3A_954 = arith.addi %iota3A, %add3A_953 : vector<16xi32>
    %add3A_955 = arith.constant 160 : i32
    %add3A_956 = arith.addi %mul3A_69, %add3A_955 : i32
    %get3A_957 = arith.index_cast %add3A_956 : i32 to index
    %get3A_958 = tpu.vector_load %arg7[%get3A_957] {strides = array<i32>} : memref<512xi32, #tpu.memory_space<vmem>>, vector<16xi32>,
    %get3A_959 = vector.shape_cast %get3A_958 : vector<16xi32> to vector<16xi32>
    %eq3A_960 = arith.constant 0 : i32
    %eq3A_961 = vector.broadcast %eq3A_960 : i32 to vector<16xi32>
    %eq3A_962 = arith.cmpi eq, %iota3A, %eq3A_961 : vector<16xi32>
    %lt3A_963 = arith.constant 0 : i32
    %lt3A_964 = vector.broadcast %lt3A_963 : i32 to vector<16xi32>
    %lt3A_965 = arith.cmpi slt, %max3A_56, %lt3A_964 : vector<16xi32>
    %add3A_966 = arith.constant 16 : i32
    %add3A_967 = vector.broadcast %add3A_966 : i32 to vector<16xi32>
    %add3A_968 = arith.addi %max3A_56, %add3A_967 : vector<16xi32>
    %select_n3A_969 = arith.select %lt3A_965, %add3A_968, %max3A_56 : vector<16xi1>, vector<16xi32>
    %broadcast_in_dim3A_970 = vector.shape_cast %select_n3A_969 : vector<16xi32> to vector<16x1xi32>
    %gather3A_971 = vector.shape_cast %broadcast_in_dim3A_970 : vector<16x1xi32> to vector<16xi32>
    %gather3A_972 = tpu.dynamic_gather %get3A_959[%gather3A_971] in [0] : vector<16xi32>, vector<16xi32> -> vector<16xi32>
    %select_n3A_973 = arith.select %eq3A_962, %gather3A_932, %gather3A_972 : vector<16xi1>, vector<16xi32>
    %broadcast_in_dim3A_974 = arith.constant 0 : i32
    %broadcast_in_dim3A_975 = vector.broadcast %broadcast_in_dim3A_974 : i32 to vector<16xi32>
    %add3A_976 = arith.constant 15 : i32
    %add3A_977 = vector.broadcast %add3A_976 : i32 to vector<16xi32>
    %add3A_978 = arith.addi %broadcast_in_dim3A_975, %add3A_977 : vector<16xi32>
    %lt3A_979 = arith.constant 0 : i32
    %lt3A_980 = vector.broadcast %lt3A_979 : i32 to vector<16xi32>
    %lt3A_981 = arith.cmpi slt, %add3A_978, %lt3A_980 : vector<16xi32>
    %add3A_982 = arith.constant 16 : i32
    %add3A_983 = vector.broadcast %add3A_982 : i32 to vector<16xi32>
    %add3A_984 = arith.addi %add3A_978, %add3A_983 : vector<16xi32>
    %select_n3A_985 = arith.select %lt3A_981, %add3A_984, %add3A_978 : vector<16xi1>, vector<16xi32>
    %broadcast_in_dim3A_986 = vector.shape_cast %select_n3A_985 : vector<16xi32> to vector<16x1xi32>
    %gather3A_987 = vector.shape_cast %broadcast_in_dim3A_986 : vector<16x1xi32> to vector<16xi32>
    %gather3A_988 = tpu.dynamic_gather %get3A_959[%gather3A_987] in [0] : vector<16xi32>, vector<16xi32> -> vector<16xi32>
    %eq3A_989 = arith.constant 0 : i32
    %eq3A_990 = vector.broadcast %eq3A_989 : i32 to vector<16xi32>
    %eq3A_991 = arith.cmpi eq, %add3A_954, %eq3A_990 : vector<16xi32>
    %jit3A_992 = arith.constant 126 : i32
    %broadcast_in_dim3A_993 = vector.broadcast %jit3A_992 : i32 to vector<16xi32>
    %select_n3A_994 = arith.select %eq3A_991, %broadcast_in_dim3A_993, %select_n3A_973 : vector<16xi1>, vector<16xi32>
    %ge3A_995 = arith.cmpi sge, %add3A_954, %gather3A_67 : vector<16xi32>
    %jit3A_996 = arith.constant 127 : i32
    %broadcast_in_dim3A_997 = vector.broadcast %jit3A_996 : i32 to vector<16xi32>
    %select_n3A_998 = arith.select %ge3A_995, %broadcast_in_dim3A_997, %get3A_959 : vector<16xi1>, vector<16xi32>
    %mul3A_999 = arith.constant 128 : i32
    %mul3A_1000 = vector.broadcast %mul3A_999 : i32 to vector<16xi32>
    %mul3A_1001 = arith.muli %select_n3A_998, %mul3A_1000 : vector<16xi32>
    %add3A_1002 = arith.addi %mul3A_1001, %select_n3A_994 : vector<16xi32>
    %swap3A_1003 = arith.constant 160 : index
    %swap3A_1004 = tpu.vector_load %arg10[%swap3A_1003] {strides = array<i32>} : memref<256xi32, #tpu.memory_space<vmem>>, vector<16xi32>,
    %swap3A_1005 = vector.shape_cast %swap3A_1004 : vector<16xi32> to vector<16xi32>
    %swap3A_1006 = vector.shape_cast %add3A_1002 : vector<16xi32> to vector<16xi32>
    tpu.vector_store %arg10[%swap3A_1003], %swap3A_1006 {strides = array<i32>} : memref<256xi32, #tpu.memory_space<vmem>>, vector<16xi32>,
    %add3A_1007 = arith.constant 176 : i32
    %add3A_1008 = arith.addi %add3A_1007, %mul3A_69 : i32
    %add3A_1009 = vector.broadcast %add3A_1008 : i32 to vector<16xi32>
    %add3A_1010 = arith.addi %iota3A, %add3A_1009 : vector<16xi32>
    %add3A_1011 = arith.constant 176 : i32
    %add3A_1012 = arith.addi %mul3A_69, %add3A_1011 : i32
    %get3A_1013 = arith.index_cast %add3A_1012 : i32 to index
    %get3A_1014 = tpu.vector_load %arg7[%get3A_1013] {strides = array<i32>} : memref<512xi32, #tpu.memory_space<vmem>>, vector<16xi32>,
    %get3A_1015 = vector.shape_cast %get3A_1014 : vector<16xi32> to vector<16xi32>
    %eq3A_1016 = arith.constant 0 : i32
    %eq3A_1017 = vector.broadcast %eq3A_1016 : i32 to vector<16xi32>
    %eq3A_1018 = arith.cmpi eq, %iota3A, %eq3A_1017 : vector<16xi32>
    %lt3A_1019 = arith.constant 0 : i32
    %lt3A_1020 = vector.broadcast %lt3A_1019 : i32 to vector<16xi32>
    %lt3A_1021 = arith.cmpi slt, %max3A_56, %lt3A_1020 : vector<16xi32>
    %add3A_1022 = arith.constant 16 : i32
    %add3A_1023 = vector.broadcast %add3A_1022 : i32 to vector<16xi32>
    %add3A_1024 = arith.addi %max3A_56, %add3A_1023 : vector<16xi32>
    %select_n3A_1025 = arith.select %lt3A_1021, %add3A_1024, %max3A_56 : vector<16xi1>, vector<16xi32>
    %broadcast_in_dim3A_1026 = vector.shape_cast %select_n3A_1025 : vector<16xi32> to vector<16x1xi32>
    %gather3A_1027 = vector.shape_cast %broadcast_in_dim3A_1026 : vector<16x1xi32> to vector<16xi32>
    %gather3A_1028 = tpu.dynamic_gather %get3A_1015[%gather3A_1027] in [0] : vector<16xi32>, vector<16xi32> -> vector<16xi32>
    %select_n3A_1029 = arith.select %eq3A_1018, %gather3A_988, %gather3A_1028 : vector<16xi1>, vector<16xi32>
    %broadcast_in_dim3A_1030 = arith.constant 0 : i32
    %broadcast_in_dim3A_1031 = vector.broadcast %broadcast_in_dim3A_1030 : i32 to vector<16xi32>
    %add3A_1032 = arith.constant 15 : i32
    %add3A_1033 = vector.broadcast %add3A_1032 : i32 to vector<16xi32>
    %add3A_1034 = arith.addi %broadcast_in_dim3A_1031, %add3A_1033 : vector<16xi32>
    %lt3A_1035 = arith.constant 0 : i32
    %lt3A_1036 = vector.broadcast %lt3A_1035 : i32 to vector<16xi32>
    %lt3A_1037 = arith.cmpi slt, %add3A_1034, %lt3A_1036 : vector<16xi32>
    %add3A_1038 = arith.constant 16 : i32
    %add3A_1039 = vector.broadcast %add3A_1038 : i32 to vector<16xi32>
    %add3A_1040 = arith.addi %add3A_1034, %add3A_1039 : vector<16xi32>
    %select_n3A_1041 = arith.select %lt3A_1037, %add3A_1040, %add3A_1034 : vector<16xi1>, vector<16xi32>
    %broadcast_in_dim3A_1042 = vector.shape_cast %select_n3A_1041 : vector<16xi32> to vector<16x1xi32>
    %gather3A_1043 = vector.shape_cast %broadcast_in_dim3A_1042 : vector<16x1xi32> to vector<16xi32>
    %gather3A_1044 = tpu.dynamic_gather %get3A_1015[%gather3A_1043] in [0] : vector<16xi32>, vector<16xi32> -> vector<16xi32>
    %eq3A_1045 = arith.constant 0 : i32
    %eq3A_1046 = vector.broadcast %eq3A_1045 : i32 to vector<16xi32>
    %eq3A_1047 = arith.cmpi eq, %add3A_1010, %eq3A_1046 : vector<16xi32>
    %jit3A_1048 = arith.constant 126 : i32
    %broadcast_in_dim3A_1049 = vector.broadcast %jit3A_1048 : i32 to vector<16xi32>
    %select_n3A_1050 = arith.select %eq3A_1047, %broadcast_in_dim3A_1049, %select_n3A_1029 : vector<16xi1>, vector<16xi32>
    %ge3A_1051 = arith.cmpi sge, %add3A_1010, %gather3A_67 : vector<16xi32>
    %jit3A_1052 = arith.constant 127 : i32
    %broadcast_in_dim3A_1053 = vector.broadcast %jit3A_1052 : i32 to vector<16xi32>
    %select_n3A_1054 = arith.select %ge3A_1051, %broadcast_in_dim3A_1053, %get3A_1015 : vector<16xi1>, vector<16xi32>
    %mul3A_1055 = arith.constant 128 : i32
    %mul3A_1056 = vector.broadcast %mul3A_1055 : i32 to vector<16xi32>
    %mul3A_1057 = arith.muli %select_n3A_1054, %mul3A_1056 : vector<16xi32>
    %add3A_1058 = arith.addi %mul3A_1057, %select_n3A_1050 : vector<16xi32>
    %swap3A_1059 = arith.constant 176 : index
    %swap3A_1060 = tpu.vector_load %arg10[%swap3A_1059] {strides = array<i32>} : memref<256xi32, #tpu.memory_space<vmem>>, vector<16xi32>,
    %swap3A_1061 = vector.shape_cast %swap3A_1060 : vector<16xi32> to vector<16xi32>
    %swap3A_1062 = vector.shape_cast %add3A_1058 : vector<16xi32> to vector<16xi32>
    tpu.vector_store %arg10[%swap3A_1059], %swap3A_1062 {strides = array<i32>} : memref<256xi32, #tpu.memory_space<vmem>>, vector<16xi32>,
    %add3A_1063 = arith.constant 192 : i32
    %add3A_1064 = arith.addi %add3A_1063, %mul3A_69 : i32
    %add3A_1065 = vector.broadcast %add3A_1064 : i32 to vector<16xi32>
    %add3A_1066 = arith.addi %iota3A, %add3A_1065 : vector<16xi32>
    %add3A_1067 = arith.constant 192 : i32
    %add3A_1068 = arith.addi %mul3A_69, %add3A_1067 : i32
    %get3A_1069 = arith.index_cast %add3A_1068 : i32 to index
    %get3A_1070 = tpu.vector_load %arg7[%get3A_1069] {strides = array<i32>} : memref<512xi32, #tpu.memory_space<vmem>>, vector<16xi32>,
    %get3A_1071 = vector.shape_cast %get3A_1070 : vector<16xi32> to vector<16xi32>
    %eq3A_1072 = arith.constant 0 : i32
    %eq3A_1073 = vector.broadcast %eq3A_1072 : i32 to vector<16xi32>
    %eq3A_1074 = arith.cmpi eq, %iota3A, %eq3A_1073 : vector<16xi32>
    %lt3A_1075 = arith.constant 0 : i32
    %lt3A_1076 = vector.broadcast %lt3A_1075 : i32 to vector<16xi32>
    %lt3A_1077 = arith.cmpi slt, %max3A_56, %lt3A_1076 : vector<16xi32>
    %add3A_1078 = arith.constant 16 : i32
    %add3A_1079 = vector.broadcast %add3A_1078 : i32 to vector<16xi32>
    %add3A_1080 = arith.addi %max3A_56, %add3A_1079 : vector<16xi32>
    %select_n3A_1081 = arith.select %lt3A_1077, %add3A_1080, %max3A_56 : vector<16xi1>, vector<16xi32>
    %broadcast_in_dim3A_1082 = vector.shape_cast %select_n3A_1081 : vector<16xi32> to vector<16x1xi32>
    %gather3A_1083 = vector.shape_cast %broadcast_in_dim3A_1082 : vector<16x1xi32> to vector<16xi32>
    %gather3A_1084 = tpu.dynamic_gather %get3A_1071[%gather3A_1083] in [0] : vector<16xi32>, vector<16xi32> -> vector<16xi32>
    %select_n3A_1085 = arith.select %eq3A_1074, %gather3A_1044, %gather3A_1084 : vector<16xi1>, vector<16xi32>
    %broadcast_in_dim3A_1086 = arith.constant 0 : i32
    %broadcast_in_dim3A_1087 = vector.broadcast %broadcast_in_dim3A_1086 : i32 to vector<16xi32>
    %add3A_1088 = arith.constant 15 : i32
    %add3A_1089 = vector.broadcast %add3A_1088 : i32 to vector<16xi32>
    %add3A_1090 = arith.addi %broadcast_in_dim3A_1087, %add3A_1089 : vector<16xi32>
    %lt3A_1091 = arith.constant 0 : i32
    %lt3A_1092 = vector.broadcast %lt3A_1091 : i32 to vector<16xi32>
    %lt3A_1093 = arith.cmpi slt, %add3A_1090, %lt3A_1092 : vector<16xi32>
    %add3A_1094 = arith.constant 16 : i32
    %add3A_1095 = vector.broadcast %add3A_1094 : i32 to vector<16xi32>
    %add3A_1096 = arith.addi %add3A_1090, %add3A_1095 : vector<16xi32>
    %select_n3A_1097 = arith.select %lt3A_1093, %add3A_1096, %add3A_1090 : vector<16xi1>, vector<16xi32>
    %broadcast_in_dim3A_1098 = vector.shape_cast %select_n3A_1097 : vector<16xi32> to vector<16x1xi32>
    %gather3A_1099 = vector.shape_cast %broadcast_in_dim3A_1098 : vector<16x1xi32> to vector<16xi32>
    %gather3A_1100 = tpu.dynamic_gather %get3A_1071[%gather3A_1099] in [0] : vector<16xi32>, vector<16xi32> -> vector<16xi32>
    %eq3A_1101 = arith.constant 0 : i32
    %eq3A_1102 = vector.broadcast %eq3A_1101 : i32 to vector<16xi32>
    %eq3A_1103 = arith.cmpi eq, %add3A_1066, %eq3A_1102 : vector<16xi32>
    %jit3A_1104 = arith.constant 126 : i32
    %broadcast_in_dim3A_1105 = vector.broadcast %jit3A_1104 : i32 to vector<16xi32>
    %select_n3A_1106 = arith.select %eq3A_1103, %broadcast_in_dim3A_1105, %select_n3A_1085 : vector<16xi1>, vector<16xi32>
    %ge3A_1107 = arith.cmpi sge, %add3A_1066, %gather3A_67 : vector<16xi32>
    %jit3A_1108 = arith.constant 127 : i32
    %broadcast_in_dim3A_1109 = vector.broadcast %jit3A_1108 : i32 to vector<16xi32>
    %select_n3A_1110 = arith.select %ge3A_1107, %broadcast_in_dim3A_1109, %get3A_1071 : vector<16xi1>, vector<16xi32>
    %mul3A_1111 = arith.constant 128 : i32
    %mul3A_1112 = vector.broadcast %mul3A_1111 : i32 to vector<16xi32>
    %mul3A_1113 = arith.muli %select_n3A_1110, %mul3A_1112 : vector<16xi32>
    %add3A_1114 = arith.addi %mul3A_1113, %select_n3A_1106 : vector<16xi32>
    %swap3A_1115 = arith.constant 192 : index
    %swap3A_1116 = tpu.vector_load %arg10[%swap3A_1115] {strides = array<i32>} : memref<256xi32, #tpu.memory_space<vmem>>, vector<16xi32>,
    %swap3A_1117 = vector.shape_cast %swap3A_1116 : vector<16xi32> to vector<16xi32>
    %swap3A_1118 = vector.shape_cast %add3A_1114 : vector<16xi32> to vector<16xi32>
    tpu.vector_store %arg10[%swap3A_1115], %swap3A_1118 {strides = array<i32>} : memref<256xi32, #tpu.memory_space<vmem>>, vector<16xi32>,
    %add3A_1119 = arith.constant 208 : i32
    %add3A_1120 = arith.addi %add3A_1119, %mul3A_69 : i32
    %add3A_1121 = vector.broadcast %add3A_1120 : i32 to vector<16xi32>
    %add3A_1122 = arith.addi %iota3A, %add3A_1121 : vector<16xi32>
    %add3A_1123 = arith.constant 208 : i32
    %add3A_1124 = arith.addi %mul3A_69, %add3A_1123 : i32
    %get3A_1125 = arith.index_cast %add3A_1124 : i32 to index
    %get3A_1126 = tpu.vector_load %arg7[%get3A_1125] {strides = array<i32>} : memref<512xi32, #tpu.memory_space<vmem>>, vector<16xi32>,
    %get3A_1127 = vector.shape_cast %get3A_1126 : vector<16xi32> to vector<16xi32>
    %eq3A_1128 = arith.constant 0 : i32
    %eq3A_1129 = vector.broadcast %eq3A_1128 : i32 to vector<16xi32>
    %eq3A_1130 = arith.cmpi eq, %iota3A, %eq3A_1129 : vector<16xi32>
    %lt3A_1131 = arith.constant 0 : i32
    %lt3A_1132 = vector.broadcast %lt3A_1131 : i32 to vector<16xi32>
    %lt3A_1133 = arith.cmpi slt, %max3A_56, %lt3A_1132 : vector<16xi32>
    %add3A_1134 = arith.constant 16 : i32
    %add3A_1135 = vector.broadcast %add3A_1134 : i32 to vector<16xi32>
    %add3A_1136 = arith.addi %max3A_56, %add3A_1135 : vector<16xi32>
    %select_n3A_1137 = arith.select %lt3A_1133, %add3A_1136, %max3A_56 : vector<16xi1>, vector<16xi32>
    %broadcast_in_dim3A_1138 = vector.shape_cast %select_n3A_1137 : vector<16xi32> to vector<16x1xi32>
    %gather3A_1139 = vector.shape_cast %broadcast_in_dim3A_1138 : vector<16x1xi32> to vector<16xi32>
    %gather3A_1140 = tpu.dynamic_gather %get3A_1127[%gather3A_1139] in [0] : vector<16xi32>, vector<16xi32> -> vector<16xi32>
    %select_n3A_1141 = arith.select %eq3A_1130, %gather3A_1100, %gather3A_1140 : vector<16xi1>, vector<16xi32>
    %broadcast_in_dim3A_1142 = arith.constant 0 : i32
    %broadcast_in_dim3A_1143 = vector.broadcast %broadcast_in_dim3A_1142 : i32 to vector<16xi32>
    %add3A_1144 = arith.constant 15 : i32
    %add3A_1145 = vector.broadcast %add3A_1144 : i32 to vector<16xi32>
    %add3A_1146 = arith.addi %broadcast_in_dim3A_1143, %add3A_1145 : vector<16xi32>
    %lt3A_1147 = arith.constant 0 : i32
    %lt3A_1148 = vector.broadcast %lt3A_1147 : i32 to vector<16xi32>
    %lt3A_1149 = arith.cmpi slt, %add3A_1146, %lt3A_1148 : vector<16xi32>
    %add3A_1150 = arith.constant 16 : i32
    %add3A_1151 = vector.broadcast %add3A_1150 : i32 to vector<16xi32>
    %add3A_1152 = arith.addi %add3A_1146, %add3A_1151 : vector<16xi32>
    %select_n3A_1153 = arith.select %lt3A_1149, %add3A_1152, %add3A_1146 : vector<16xi1>, vector<16xi32>
    %broadcast_in_dim3A_1154 = vector.shape_cast %select_n3A_1153 : vector<16xi32> to vector<16x1xi32>
    %gather3A_1155 = vector.shape_cast %broadcast_in_dim3A_1154 : vector<16x1xi32> to vector<16xi32>
    %gather3A_1156 = tpu.dynamic_gather %get3A_1127[%gather3A_1155] in [0] : vector<16xi32>, vector<16xi32> -> vector<16xi32>
    %eq3A_1157 = arith.constant 0 : i32
    %eq3A_1158 = vector.broadcast %eq3A_1157 : i32 to vector<16xi32>
    %eq3A_1159 = arith.cmpi eq, %add3A_1122, %eq3A_1158 : vector<16xi32>
    %jit3A_1160 = arith.constant 126 : i32
    %broadcast_in_dim3A_1161 = vector.broadcast %jit3A_1160 : i32 to vector<16xi32>
    %select_n3A_1162 = arith.select %eq3A_1159, %broadcast_in_dim3A_1161, %select_n3A_1141 : vector<16xi1>, vector<16xi32>
    %ge3A_1163 = arith.cmpi sge, %add3A_1122, %gather3A_67 : vector<16xi32>
    %jit3A_1164 = arith.constant 127 : i32
    %broadcast_in_dim3A_1165 = vector.broadcast %jit3A_1164 : i32 to vector<16xi32>
    %select_n3A_1166 = arith.select %ge3A_1163, %broadcast_in_dim3A_1165, %get3A_1127 : vector<16xi1>, vector<16xi32>
    %mul3A_1167 = arith.constant 128 : i32
    %mul3A_1168 = vector.broadcast %mul3A_1167 : i32 to vector<16xi32>
    %mul3A_1169 = arith.muli %select_n3A_1166, %mul3A_1168 : vector<16xi32>
    %add3A_1170 = arith.addi %mul3A_1169, %select_n3A_1162 : vector<16xi32>
    %swap3A_1171 = arith.constant 208 : index
    %swap3A_1172 = tpu.vector_load %arg10[%swap3A_1171] {strides = array<i32>} : memref<256xi32, #tpu.memory_space<vmem>>, vector<16xi32>,
    %swap3A_1173 = vector.shape_cast %swap3A_1172 : vector<16xi32> to vector<16xi32>
    %swap3A_1174 = vector.shape_cast %add3A_1170 : vector<16xi32> to vector<16xi32>
    tpu.vector_store %arg10[%swap3A_1171], %swap3A_1174 {strides = array<i32>} : memref<256xi32, #tpu.memory_space<vmem>>, vector<16xi32>,
    %add3A_1175 = arith.constant 224 : i32
    %add3A_1176 = arith.addi %add3A_1175, %mul3A_69 : i32
    %add3A_1177 = vector.broadcast %add3A_1176 : i32 to vector<16xi32>
    %add3A_1178 = arith.addi %iota3A, %add3A_1177 : vector<16xi32>
    %add3A_1179 = arith.constant 224 : i32
    %add3A_1180 = arith.addi %mul3A_69, %add3A_1179 : i32
    %get3A_1181 = arith.index_cast %add3A_1180 : i32 to index
    %get3A_1182 = tpu.vector_load %arg7[%get3A_1181] {strides = array<i32>} : memref<512xi32, #tpu.memory_space<vmem>>, vector<16xi32>,
    %get3A_1183 = vector.shape_cast %get3A_1182 : vector<16xi32> to vector<16xi32>
    %eq3A_1184 = arith.constant 0 : i32
    %eq3A_1185 = vector.broadcast %eq3A_1184 : i32 to vector<16xi32>
    %eq3A_1186 = arith.cmpi eq, %iota3A, %eq3A_1185 : vector<16xi32>
    %lt3A_1187 = arith.constant 0 : i32
    %lt3A_1188 = vector.broadcast %lt3A_1187 : i32 to vector<16xi32>
    %lt3A_1189 = arith.cmpi slt, %max3A_56, %lt3A_1188 : vector<16xi32>
    %add3A_1190 = arith.constant 16 : i32
    %add3A_1191 = vector.broadcast %add3A_1190 : i32 to vector<16xi32>
    %add3A_1192 = arith.addi %max3A_56, %add3A_1191 : vector<16xi32>
    %select_n3A_1193 = arith.select %lt3A_1189, %add3A_1192, %max3A_56 : vector<16xi1>, vector<16xi32>
    %broadcast_in_dim3A_1194 = vector.shape_cast %select_n3A_1193 : vector<16xi32> to vector<16x1xi32>
    %gather3A_1195 = vector.shape_cast %broadcast_in_dim3A_1194 : vector<16x1xi32> to vector<16xi32>
    %gather3A_1196 = tpu.dynamic_gather %get3A_1183[%gather3A_1195] in [0] : vector<16xi32>, vector<16xi32> -> vector<16xi32>
    %select_n3A_1197 = arith.select %eq3A_1186, %gather3A_1156, %gather3A_1196 : vector<16xi1>, vector<16xi32>
    %broadcast_in_dim3A_1198 = arith.constant 0 : i32
    %broadcast_in_dim3A_1199 = vector.broadcast %broadcast_in_dim3A_1198 : i32 to vector<16xi32>
    %add3A_1200 = arith.constant 15 : i32
    %add3A_1201 = vector.broadcast %add3A_1200 : i32 to vector<16xi32>
    %add3A_1202 = arith.addi %broadcast_in_dim3A_1199, %add3A_1201 : vector<16xi32>
    %lt3A_1203 = arith.constant 0 : i32
    %lt3A_1204 = vector.broadcast %lt3A_1203 : i32 to vector<16xi32>
    %lt3A_1205 = arith.cmpi slt, %add3A_1202, %lt3A_1204 : vector<16xi32>
    %add3A_1206 = arith.constant 16 : i32
    %add3A_1207 = vector.broadcast %add3A_1206 : i32 to vector<16xi32>
    %add3A_1208 = arith.addi %add3A_1202, %add3A_1207 : vector<16xi32>
    %select_n3A_1209 = arith.select %lt3A_1205, %add3A_1208, %add3A_1202 : vector<16xi1>, vector<16xi32>
    %broadcast_in_dim3A_1210 = vector.shape_cast %select_n3A_1209 : vector<16xi32> to vector<16x1xi32>
    %gather3A_1211 = vector.shape_cast %broadcast_in_dim3A_1210 : vector<16x1xi32> to vector<16xi32>
    %gather3A_1212 = tpu.dynamic_gather %get3A_1183[%gather3A_1211] in [0] : vector<16xi32>, vector<16xi32> -> vector<16xi32>
    %eq3A_1213 = arith.constant 0 : i32
    %eq3A_1214 = vector.broadcast %eq3A_1213 : i32 to vector<16xi32>
    %eq3A_1215 = arith.cmpi eq, %add3A_1178, %eq3A_1214 : vector<16xi32>
    %jit3A_1216 = arith.constant 126 : i32
    %broadcast_in_dim3A_1217 = vector.broadcast %jit3A_1216 : i32 to vector<16xi32>
    %select_n3A_1218 = arith.select %eq3A_1215, %broadcast_in_dim3A_1217, %select_n3A_1197 : vector<16xi1>, vector<16xi32>
    %ge3A_1219 = arith.cmpi sge, %add3A_1178, %gather3A_67 : vector<16xi32>
    %jit3A_1220 = arith.constant 127 : i32
    %broadcast_in_dim3A_1221 = vector.broadcast %jit3A_1220 : i32 to vector<16xi32>
    %select_n3A_1222 = arith.select %ge3A_1219, %broadcast_in_dim3A_1221, %get3A_1183 : vector<16xi1>, vector<16xi32>
    %mul3A_1223 = arith.constant 128 : i32
    %mul3A_1224 = vector.broadcast %mul3A_1223 : i32 to vector<16xi32>
    %mul3A_1225 = arith.muli %select_n3A_1222, %mul3A_1224 : vector<16xi32>
    %add3A_1226 = arith.addi %mul3A_1225, %select_n3A_1218 : vector<16xi32>
    %swap3A_1227 = arith.constant 224 : index
    %swap3A_1228 = tpu.vector_load %arg10[%swap3A_1227] {strides = array<i32>} : memref<256xi32, #tpu.memory_space<vmem>>, vector<16xi32>,
    %swap3A_1229 = vector.shape_cast %swap3A_1228 : vector<16xi32> to vector<16xi32>
    %swap3A_1230 = vector.shape_cast %add3A_1226 : vector<16xi32> to vector<16xi32>
    tpu.vector_store %arg10[%swap3A_1227], %swap3A_1230 {strides = array<i32>} : memref<256xi32, #tpu.memory_space<vmem>>, vector<16xi32>,
    %add3A_1231 = arith.constant 240 : i32
    %add3A_1232 = arith.addi %add3A_1231, %mul3A_69 : i32
    %add3A_1233 = vector.broadcast %add3A_1232 : i32 to vector<16xi32>
    %add3A_1234 = arith.addi %iota3A, %add3A_1233 : vector<16xi32>
    %add3A_1235 = arith.constant 240 : i32
    %add3A_1236 = arith.addi %mul3A_69, %add3A_1235 : i32
    %get3A_1237 = arith.index_cast %add3A_1236 : i32 to index
    %get3A_1238 = tpu.vector_load %arg7[%get3A_1237] {strides = array<i32>} : memref<512xi32, #tpu.memory_space<vmem>>, vector<16xi32>,
    %get3A_1239 = vector.shape_cast %get3A_1238 : vector<16xi32> to vector<16xi32>
    %eq3A_1240 = arith.constant 0 : i32
    %eq3A_1241 = vector.broadcast %eq3A_1240 : i32 to vector<16xi32>
    %eq3A_1242 = arith.cmpi eq, %iota3A, %eq3A_1241 : vector<16xi32>
    %lt3A_1243 = arith.constant 0 : i32
    %lt3A_1244 = vector.broadcast %lt3A_1243 : i32 to vector<16xi32>
    %lt3A_1245 = arith.cmpi slt, %max3A_56, %lt3A_1244 : vector<16xi32>
    %add3A_1246 = arith.constant 16 : i32
    %add3A_1247 = vector.broadcast %add3A_1246 : i32 to vector<16xi32>
    %add3A_1248 = arith.addi %max3A_56, %add3A_1247 : vector<16xi32>
    %select_n3A_1249 = arith.select %lt3A_1245, %add3A_1248, %max3A_56 : vector<16xi1>, vector<16xi32>
    %broadcast_in_dim3A_1250 = vector.shape_cast %select_n3A_1249 : vector<16xi32> to vector<16x1xi32>
    %gather3A_1251 = vector.shape_cast %broadcast_in_dim3A_1250 : vector<16x1xi32> to vector<16xi32>
    %gather3A_1252 = tpu.dynamic_gather %get3A_1239[%gather3A_1251] in [0] : vector<16xi32>, vector<16xi32> -> vector<16xi32>
    %select_n3A_1253 = arith.select %eq3A_1242, %gather3A_1212, %gather3A_1252 : vector<16xi1>, vector<16xi32>
    %broadcast_in_dim3A_1254 = arith.constant 0 : i32
    %broadcast_in_dim3A_1255 = vector.broadcast %broadcast_in_dim3A_1254 : i32 to vector<16xi32>
    %add3A_1256 = arith.constant 15 : i32
    %add3A_1257 = vector.broadcast %add3A_1256 : i32 to vector<16xi32>
    %add3A_1258 = arith.addi %broadcast_in_dim3A_1255, %add3A_1257 : vector<16xi32>
    %lt3A_1259 = arith.constant 0 : i32
    %lt3A_1260 = vector.broadcast %lt3A_1259 : i32 to vector<16xi32>
    %lt3A_1261 = arith.cmpi slt, %add3A_1258, %lt3A_1260 : vector<16xi32>
    %add3A_1262 = arith.constant 16 : i32
    %add3A_1263 = vector.broadcast %add3A_1262 : i32 to vector<16xi32>
    %add3A_1264 = arith.addi %add3A_1258, %add3A_1263 : vector<16xi32>
    %select_n3A_1265 = arith.select %lt3A_1261, %add3A_1264, %add3A_1258 : vector<16xi1>, vector<16xi32>
    %broadcast_in_dim3A_1266 = vector.shape_cast %select_n3A_1265 : vector<16xi32> to vector<16x1xi32>
    %gather3A_1267 = vector.shape_cast %broadcast_in_dim3A_1266 : vector<16x1xi32> to vector<16xi32>
    %gather3A_1268 = tpu.dynamic_gather %get3A_1239[%gather3A_1267] in [0] : vector<16xi32>, vector<16xi32> -> vector<16xi32>
    %eq3A_1269 = arith.constant 0 : i32
    %eq3A_1270 = vector.broadcast %eq3A_1269 : i32 to vector<16xi32>
    %eq3A_1271 = arith.cmpi eq, %add3A_1234, %eq3A_1270 : vector<16xi32>
    %jit3A_1272 = arith.constant 126 : i32
    %broadcast_in_dim3A_1273 = vector.broadcast %jit3A_1272 : i32 to vector<16xi32>
    %select_n3A_1274 = arith.select %eq3A_1271, %broadcast_in_dim3A_1273, %select_n3A_1253 : vector<16xi1>, vector<16xi32>
    %ge3A_1275 = arith.cmpi sge, %add3A_1234, %gather3A_67 : vector<16xi32>
    %jit3A_1276 = arith.constant 127 : i32
    %broadcast_in_dim3A_1277 = vector.broadcast %jit3A_1276 : i32 to vector<16xi32>
    %select_n3A_1278 = arith.select %ge3A_1275, %broadcast_in_dim3A_1277, %get3A_1239 : vector<16xi1>, vector<16xi32>
    %mul3A_1279 = arith.constant 128 : i32
    %mul3A_1280 = vector.broadcast %mul3A_1279 : i32 to vector<16xi32>
    %mul3A_1281 = arith.muli %select_n3A_1278, %mul3A_1280 : vector<16xi32>
    %add3A_1282 = arith.addi %mul3A_1281, %select_n3A_1274 : vector<16xi32>
    %swap3A_1283 = arith.constant 240 : index
    %swap3A_1284 = tpu.vector_load %arg10[%swap3A_1283] {strides = array<i32>} : memref<256xi32, #tpu.memory_space<vmem>>, vector<16xi32>,
    %swap3A_1285 = vector.shape_cast %swap3A_1284 : vector<16xi32> to vector<16xi32>
    %swap3A_1286 = vector.shape_cast %add3A_1282 : vector<16xi32> to vector<16xi32>
    tpu.vector_store %arg10[%swap3A_1283], %swap3A_1286 {strides = array<i32>} : memref<256xi32, #tpu.memory_space<vmem>>, vector<16xi32>,
    %dma_start3A_1287 = arith.constant 0 : i32
    %dma_start3A_1288 = tpu.memref_slice %arg12[%dma_start3A_1287] : memref<256xf32, #tpu.memory_space<vmem>> -> memref<128xf32, #tpu.memory_space<vmem>>
    %dma_start3A_1289 = arith.constant 0 : i32
    %dma_start3A_1290 = tpu.memref_slice %arg10[%dma_start3A_1289] : memref<256xi32, #tpu.memory_space<vmem>> -> memref<128xi32, #tpu.memory_space<vmem>>
    %dma_start3A_1291 = arith.constant 0 : i32
    %dma_start3A_1292 = tpu.memref_slice %arg3[%dma_start3A_1291] : memref<16384xf32, #tpu.memory_space<hbm>> -> memref<16384xf32, #tpu.memory_space<hbm>>
    tpu.enqueue_indirect_dma source(%dma_start3A_1292 : memref<16384xf32, #tpu.memory_space<hbm>>) target(%dma_start3A_1288 : memref<128xf32, #tpu.memory_space<vmem>>) offsets(%dma_start3A_1290 : memref<128xi32, #tpu.memory_space<vmem>>) semaphore(%arg14 : memref<!tpu.dma_semaphore, #tpu.memory_space<semaphore_mem>>)
    %dma_start3A_1293 = arith.constant 128 : i32
    %dma_start3A_1294 = tpu.memref_slice %arg12[%dma_start3A_1293] : memref<256xf32, #tpu.memory_space<vmem>> -> memref<128xf32, #tpu.memory_space<vmem>>
    %dma_start3A_1295 = arith.constant 128 : i32
    %dma_start3A_1296 = tpu.memref_slice %arg10[%dma_start3A_1295] : memref<256xi32, #tpu.memory_space<vmem>> -> memref<128xi32, #tpu.memory_space<vmem>>
    %dma_start3A_1297 = arith.constant 0 : i32
    %dma_start3A_1298 = tpu.memref_slice %arg3[%dma_start3A_1297] : memref<16384xf32, #tpu.memory_space<hbm>> -> memref<16384xf32, #tpu.memory_space<hbm>>
    tpu.enqueue_indirect_dma source(%dma_start3A_1298 : memref<16384xf32, #tpu.memory_space<hbm>>) target(%dma_start3A_1294 : memref<128xf32, #tpu.memory_space<vmem>>) offsets(%dma_start3A_1296 : memref<128xi32, #tpu.memory_space<vmem>>) semaphore(%arg14 : memref<!tpu.dma_semaphore, #tpu.memory_space<semaphore_mem>>)
    %dma_wait3A_1299 = arith.constant 0 : i32
    %dma_wait3A_1300 = tpu.memref_slice %arg11[%dma_wait3A_1299] : memref<256xf32, #tpu.memory_space<vmem>> -> memref<128xf32, #tpu.memory_space<vmem>>
    %dma_wait3A_1301 = arith.constant 0 : i32
    %dma_wait3A_1302 = tpu.memref_slice %arg9[%dma_wait3A_1301] : memref<256xi32, #tpu.memory_space<vmem>> -> memref<128xi32, #tpu.memory_space<vmem>>
    %dma_wait3A_1303 = arith.constant 0 : i32
    %dma_wait3A_1304 = tpu.memref_slice %arg2[%dma_wait3A_1303] : memref<1048576xf32, #tpu.memory_space<hbm>> -> memref<1048576xf32, #tpu.memory_space<hbm>>
    tpu.wait_indirect_dma semaphore(%arg14 : memref<!tpu.dma_semaphore, #tpu.memory_space<semaphore_mem>>) src(%dma_wait3A_1304 : memref<1048576xf32, #tpu.memory_space<hbm>>) dst(%dma_wait3A_1300 : memref<128xf32, #tpu.memory_space<vmem>>)
    %dma_wait3A_1305 = arith.constant 128 : i32
    %dma_wait3A_1306 = tpu.memref_slice %arg11[%dma_wait3A_1305] : memref<256xf32, #tpu.memory_space<vmem>> -> memref<128xf32, #tpu.memory_space<vmem>>
    %dma_wait3A_1307 = arith.constant 128 : i32
    %dma_wait3A_1308 = tpu.memref_slice %arg9[%dma_wait3A_1307] : memref<256xi32, #tpu.memory_space<vmem>> -> memref<128xi32, #tpu.memory_space<vmem>>
    %dma_wait3A_1309 = arith.constant 0 : i32
    %dma_wait3A_1310 = tpu.memref_slice %arg2[%dma_wait3A_1309] : memref<1048576xf32, #tpu.memory_space<hbm>> -> memref<1048576xf32, #tpu.memory_space<hbm>>
    tpu.wait_indirect_dma semaphore(%arg14 : memref<!tpu.dma_semaphore, #tpu.memory_space<semaphore_mem>>) src(%dma_wait3A_1310 : memref<1048576xf32, #tpu.memory_space<hbm>>) dst(%dma_wait3A_1306 : memref<128xf32, #tpu.memory_space<vmem>>)
    %dma_wait3A_1311 = arith.constant 0 : i32
    %dma_wait3A_1312 = tpu.memref_slice %arg12[%dma_wait3A_1311] : memref<256xf32, #tpu.memory_space<vmem>> -> memref<128xf32, #tpu.memory_space<vmem>>
    %dma_wait3A_1313 = arith.constant 0 : i32
    %dma_wait3A_1314 = tpu.memref_slice %arg10[%dma_wait3A_1313] : memref<256xi32, #tpu.memory_space<vmem>> -> memref<128xi32, #tpu.memory_space<vmem>>
    %dma_wait3A_1315 = arith.constant 0 : i32
    %dma_wait3A_1316 = tpu.memref_slice %arg3[%dma_wait3A_1315] : memref<16384xf32, #tpu.memory_space<hbm>> -> memref<16384xf32, #tpu.memory_space<hbm>>
    tpu.wait_indirect_dma semaphore(%arg14 : memref<!tpu.dma_semaphore, #tpu.memory_space<semaphore_mem>>) src(%dma_wait3A_1316 : memref<16384xf32, #tpu.memory_space<hbm>>) dst(%dma_wait3A_1312 : memref<128xf32, #tpu.memory_space<vmem>>)
    %dma_wait3A_1317 = arith.constant 128 : i32
    %dma_wait3A_1318 = tpu.memref_slice %arg12[%dma_wait3A_1317] : memref<256xf32, #tpu.memory_space<vmem>> -> memref<128xf32, #tpu.memory_space<vmem>>
    %dma_wait3A_1319 = arith.constant 128 : i32
    %dma_wait3A_1320 = tpu.memref_slice %arg10[%dma_wait3A_1319] : memref<256xi32, #tpu.memory_space<vmem>> -> memref<128xi32, #tpu.memory_space<vmem>>
    %dma_wait3A_1321 = arith.constant 0 : i32
    %dma_wait3A_1322 = tpu.memref_slice %arg3[%dma_wait3A_1321] : memref<16384xf32, #tpu.memory_space<hbm>> -> memref<16384xf32, #tpu.memory_space<hbm>>
    tpu.wait_indirect_dma semaphore(%arg14 : memref<!tpu.dma_semaphore, #tpu.memory_space<semaphore_mem>>) src(%dma_wait3A_1322 : memref<16384xf32, #tpu.memory_space<hbm>>) dst(%dma_wait3A_1318 : memref<128xf32, #tpu.memory_space<vmem>>)
    %broadcast_in_dim3A_1323 = arith.constant 0.000000e+00 : f32
    %broadcast_in_dim3A_1324 = vector.broadcast %broadcast_in_dim3A_1323 : f32 to vector<16xf32>
    %add3A_1325 = arith.constant 0 : i32
    %add3A_1326 = arith.addi %add3A_1325, %mul3A_69 : i32
    %add3A_1327 = vector.broadcast %add3A_1326 : i32 to vector<16xi32>
    %add3A_1328 = arith.addi %iota3A, %add3A_1327 : vector<16xi32>
    %lt3A_1329 = arith.cmpi slt, %add3A_1328, %gather3A_67 : vector<16xi32>
    %get3A_1330 = arith.constant 0 : index
    %get3A_1331 = tpu.vector_load %arg11[%get3A_1330] {strides = array<i32>} : memref<256xf32, #tpu.memory_space<vmem>>, vector<16xf32>,
    %get3A_1332 = vector.shape_cast %get3A_1331 : vector<16xf32> to vector<16xf32>
    %jit3A_1333 = arith.constant 0.000000e+00 : f32
    %broadcast_in_dim3A_1334 = vector.broadcast %jit3A_1333 : f32 to vector<16xf32>
    %select_n3A_1335 = arith.select %lt3A_1329, %get3A_1332, %broadcast_in_dim3A_1334 : vector<16xi1>, vector<16xf32>
    %add3A_1336 = arith.addf %broadcast_in_dim3A_1324, %select_n3A_1335 : vector<16xf32>
    %le3A = arith.cmpi sle, %add3A_1328, %gather3A_67 : vector<16xi32>
    %get3A_1337 = arith.constant 0 : index
    %get3A_1338 = tpu.vector_load %arg12[%get3A_1337] {strides = array<i32>} : memref<256xf32, #tpu.memory_space<vmem>>, vector<16xf32>,
    %get3A_1339 = vector.shape_cast %get3A_1338 : vector<16xf32> to vector<16xf32>
    %jit3A_1340 = arith.constant 0.000000e+00 : f32
    %broadcast_in_dim3A_1341 = vector.broadcast %jit3A_1340 : f32 to vector<16xf32>
    %select_n3A_1342 = arith.select %le3A, %get3A_1339, %broadcast_in_dim3A_1341 : vector<16xi1>, vector<16xf32>
    %add3A_1343 = arith.addf %add3A_1336, %select_n3A_1342 : vector<16xf32>
    %add3A_1344 = arith.constant 16 : i32
    %add3A_1345 = arith.addi %add3A_1344, %mul3A_69 : i32
    %add3A_1346 = vector.broadcast %add3A_1345 : i32 to vector<16xi32>
    %add3A_1347 = arith.addi %iota3A, %add3A_1346 : vector<16xi32>
    %lt3A_1348 = arith.cmpi slt, %add3A_1347, %gather3A_67 : vector<16xi32>
    %get3A_1349 = arith.constant 16 : index
    %get3A_1350 = tpu.vector_load %arg11[%get3A_1349] {strides = array<i32>} : memref<256xf32, #tpu.memory_space<vmem>>, vector<16xf32>,
    %get3A_1351 = vector.shape_cast %get3A_1350 : vector<16xf32> to vector<16xf32>
    %jit3A_1352 = arith.constant 0.000000e+00 : f32
    %broadcast_in_dim3A_1353 = vector.broadcast %jit3A_1352 : f32 to vector<16xf32>
    %select_n3A_1354 = arith.select %lt3A_1348, %get3A_1351, %broadcast_in_dim3A_1353 : vector<16xi1>, vector<16xf32>
    %add3A_1355 = arith.addf %add3A_1343, %select_n3A_1354 : vector<16xf32>
    %le3A_1356 = arith.cmpi sle, %add3A_1347, %gather3A_67 : vector<16xi32>
    %get3A_1357 = arith.constant 16 : index
    %get3A_1358 = tpu.vector_load %arg12[%get3A_1357] {strides = array<i32>} : memref<256xf32, #tpu.memory_space<vmem>>, vector<16xf32>,
    %get3A_1359 = vector.shape_cast %get3A_1358 : vector<16xf32> to vector<16xf32>
    %jit3A_1360 = arith.constant 0.000000e+00 : f32
    %broadcast_in_dim3A_1361 = vector.broadcast %jit3A_1360 : f32 to vector<16xf32>
    %select_n3A_1362 = arith.select %le3A_1356, %get3A_1359, %broadcast_in_dim3A_1361 : vector<16xi1>, vector<16xf32>
    %add3A_1363 = arith.addf %add3A_1355, %select_n3A_1362 : vector<16xf32>
    %add3A_1364 = arith.constant 32 : i32
    %add3A_1365 = arith.addi %add3A_1364, %mul3A_69 : i32
    %add3A_1366 = vector.broadcast %add3A_1365 : i32 to vector<16xi32>
    %add3A_1367 = arith.addi %iota3A, %add3A_1366 : vector<16xi32>
    %lt3A_1368 = arith.cmpi slt, %add3A_1367, %gather3A_67 : vector<16xi32>
    %get3A_1369 = arith.constant 32 : index
    %get3A_1370 = tpu.vector_load %arg11[%get3A_1369] {strides = array<i32>} : memref<256xf32, #tpu.memory_space<vmem>>, vector<16xf32>,
    %get3A_1371 = vector.shape_cast %get3A_1370 : vector<16xf32> to vector<16xf32>
    %jit3A_1372 = arith.constant 0.000000e+00 : f32
    %broadcast_in_dim3A_1373 = vector.broadcast %jit3A_1372 : f32 to vector<16xf32>
    %select_n3A_1374 = arith.select %lt3A_1368, %get3A_1371, %broadcast_in_dim3A_1373 : vector<16xi1>, vector<16xf32>
    %add3A_1375 = arith.addf %add3A_1363, %select_n3A_1374 : vector<16xf32>
    %le3A_1376 = arith.cmpi sle, %add3A_1367, %gather3A_67 : vector<16xi32>
    %get3A_1377 = arith.constant 32 : index
    %get3A_1378 = tpu.vector_load %arg12[%get3A_1377] {strides = array<i32>} : memref<256xf32, #tpu.memory_space<vmem>>, vector<16xf32>,
    %get3A_1379 = vector.shape_cast %get3A_1378 : vector<16xf32> to vector<16xf32>
    %jit3A_1380 = arith.constant 0.000000e+00 : f32
    %broadcast_in_dim3A_1381 = vector.broadcast %jit3A_1380 : f32 to vector<16xf32>
    %select_n3A_1382 = arith.select %le3A_1376, %get3A_1379, %broadcast_in_dim3A_1381 : vector<16xi1>, vector<16xf32>
    %add3A_1383 = arith.addf %add3A_1375, %select_n3A_1382 : vector<16xf32>
    %add3A_1384 = arith.constant 48 : i32
    %add3A_1385 = arith.addi %add3A_1384, %mul3A_69 : i32
    %add3A_1386 = vector.broadcast %add3A_1385 : i32 to vector<16xi32>
    %add3A_1387 = arith.addi %iota3A, %add3A_1386 : vector<16xi32>
    %lt3A_1388 = arith.cmpi slt, %add3A_1387, %gather3A_67 : vector<16xi32>
    %get3A_1389 = arith.constant 48 : index
    %get3A_1390 = tpu.vector_load %arg11[%get3A_1389] {strides = array<i32>} : memref<256xf32, #tpu.memory_space<vmem>>, vector<16xf32>,
    %get3A_1391 = vector.shape_cast %get3A_1390 : vector<16xf32> to vector<16xf32>
    %jit3A_1392 = arith.constant 0.000000e+00 : f32
    %broadcast_in_dim3A_1393 = vector.broadcast %jit3A_1392 : f32 to vector<16xf32>
    %select_n3A_1394 = arith.select %lt3A_1388, %get3A_1391, %broadcast_in_dim3A_1393 : vector<16xi1>, vector<16xf32>
    %add3A_1395 = arith.addf %add3A_1383, %select_n3A_1394 : vector<16xf32>
    %le3A_1396 = arith.cmpi sle, %add3A_1387, %gather3A_67 : vector<16xi32>
    %get3A_1397 = arith.constant 48 : index
    %get3A_1398 = tpu.vector_load %arg12[%get3A_1397] {strides = array<i32>} : memref<256xf32, #tpu.memory_space<vmem>>, vector<16xf32>,
    %get3A_1399 = vector.shape_cast %get3A_1398 : vector<16xf32> to vector<16xf32>
    %jit3A_1400 = arith.constant 0.000000e+00 : f32
    %broadcast_in_dim3A_1401 = vector.broadcast %jit3A_1400 : f32 to vector<16xf32>
    %select_n3A_1402 = arith.select %le3A_1396, %get3A_1399, %broadcast_in_dim3A_1401 : vector<16xi1>, vector<16xf32>
    %add3A_1403 = arith.addf %add3A_1395, %select_n3A_1402 : vector<16xf32>
    %add3A_1404 = arith.constant 64 : i32
    %add3A_1405 = arith.addi %add3A_1404, %mul3A_69 : i32
    %add3A_1406 = vector.broadcast %add3A_1405 : i32 to vector<16xi32>
    %add3A_1407 = arith.addi %iota3A, %add3A_1406 : vector<16xi32>
    %lt3A_1408 = arith.cmpi slt, %add3A_1407, %gather3A_67 : vector<16xi32>
    %get3A_1409 = arith.constant 64 : index
    %get3A_1410 = tpu.vector_load %arg11[%get3A_1409] {strides = array<i32>} : memref<256xf32, #tpu.memory_space<vmem>>, vector<16xf32>,
    %get3A_1411 = vector.shape_cast %get3A_1410 : vector<16xf32> to vector<16xf32>
    %jit3A_1412 = arith.constant 0.000000e+00 : f32
    %broadcast_in_dim3A_1413 = vector.broadcast %jit3A_1412 : f32 to vector<16xf32>
    %select_n3A_1414 = arith.select %lt3A_1408, %get3A_1411, %broadcast_in_dim3A_1413 : vector<16xi1>, vector<16xf32>
    %add3A_1415 = arith.addf %add3A_1403, %select_n3A_1414 : vector<16xf32>
    %le3A_1416 = arith.cmpi sle, %add3A_1407, %gather3A_67 : vector<16xi32>
    %get3A_1417 = arith.constant 64 : index
    %get3A_1418 = tpu.vector_load %arg12[%get3A_1417] {strides = array<i32>} : memref<256xf32, #tpu.memory_space<vmem>>, vector<16xf32>,
    %get3A_1419 = vector.shape_cast %get3A_1418 : vector<16xf32> to vector<16xf32>
    %jit3A_1420 = arith.constant 0.000000e+00 : f32
    %broadcast_in_dim3A_1421 = vector.broadcast %jit3A_1420 : f32 to vector<16xf32>
    %select_n3A_1422 = arith.select %le3A_1416, %get3A_1419, %broadcast_in_dim3A_1421 : vector<16xi1>, vector<16xf32>
    %add3A_1423 = arith.addf %add3A_1415, %select_n3A_1422 : vector<16xf32>
    %add3A_1424 = arith.constant 80 : i32
    %add3A_1425 = arith.addi %add3A_1424, %mul3A_69 : i32
    %add3A_1426 = vector.broadcast %add3A_1425 : i32 to vector<16xi32>
    %add3A_1427 = arith.addi %iota3A, %add3A_1426 : vector<16xi32>
    %lt3A_1428 = arith.cmpi slt, %add3A_1427, %gather3A_67 : vector<16xi32>
    %get3A_1429 = arith.constant 80 : index
    %get3A_1430 = tpu.vector_load %arg11[%get3A_1429] {strides = array<i32>} : memref<256xf32, #tpu.memory_space<vmem>>, vector<16xf32>,
    %get3A_1431 = vector.shape_cast %get3A_1430 : vector<16xf32> to vector<16xf32>
    %jit3A_1432 = arith.constant 0.000000e+00 : f32
    %broadcast_in_dim3A_1433 = vector.broadcast %jit3A_1432 : f32 to vector<16xf32>
    %select_n3A_1434 = arith.select %lt3A_1428, %get3A_1431, %broadcast_in_dim3A_1433 : vector<16xi1>, vector<16xf32>
    %add3A_1435 = arith.addf %add3A_1423, %select_n3A_1434 : vector<16xf32>
    %le3A_1436 = arith.cmpi sle, %add3A_1427, %gather3A_67 : vector<16xi32>
    %get3A_1437 = arith.constant 80 : index
    %get3A_1438 = tpu.vector_load %arg12[%get3A_1437] {strides = array<i32>} : memref<256xf32, #tpu.memory_space<vmem>>, vector<16xf32>,
    %get3A_1439 = vector.shape_cast %get3A_1438 : vector<16xf32> to vector<16xf32>
    %jit3A_1440 = arith.constant 0.000000e+00 : f32
    %broadcast_in_dim3A_1441 = vector.broadcast %jit3A_1440 : f32 to vector<16xf32>
    %select_n3A_1442 = arith.select %le3A_1436, %get3A_1439, %broadcast_in_dim3A_1441 : vector<16xi1>, vector<16xf32>
    %add3A_1443 = arith.addf %add3A_1435, %select_n3A_1442 : vector<16xf32>
    %add3A_1444 = arith.constant 96 : i32
    %add3A_1445 = arith.addi %add3A_1444, %mul3A_69 : i32
    %add3A_1446 = vector.broadcast %add3A_1445 : i32 to vector<16xi32>
    %add3A_1447 = arith.addi %iota3A, %add3A_1446 : vector<16xi32>
    %lt3A_1448 = arith.cmpi slt, %add3A_1447, %gather3A_67 : vector<16xi32>
    %get3A_1449 = arith.constant 96 : index
    %get3A_1450 = tpu.vector_load %arg11[%get3A_1449] {strides = array<i32>} : memref<256xf32, #tpu.memory_space<vmem>>, vector<16xf32>,
    %get3A_1451 = vector.shape_cast %get3A_1450 : vector<16xf32> to vector<16xf32>
    %jit3A_1452 = arith.constant 0.000000e+00 : f32
    %broadcast_in_dim3A_1453 = vector.broadcast %jit3A_1452 : f32 to vector<16xf32>
    %select_n3A_1454 = arith.select %lt3A_1448, %get3A_1451, %broadcast_in_dim3A_1453 : vector<16xi1>, vector<16xf32>
    %add3A_1455 = arith.addf %add3A_1443, %select_n3A_1454 : vector<16xf32>
    %le3A_1456 = arith.cmpi sle, %add3A_1447, %gather3A_67 : vector<16xi32>
    %get3A_1457 = arith.constant 96 : index
    %get3A_1458 = tpu.vector_load %arg12[%get3A_1457] {strides = array<i32>} : memref<256xf32, #tpu.memory_space<vmem>>, vector<16xf32>,
    %get3A_1459 = vector.shape_cast %get3A_1458 : vector<16xf32> to vector<16xf32>
    %jit3A_1460 = arith.constant 0.000000e+00 : f32
    %broadcast_in_dim3A_1461 = vector.broadcast %jit3A_1460 : f32 to vector<16xf32>
    %select_n3A_1462 = arith.select %le3A_1456, %get3A_1459, %broadcast_in_dim3A_1461 : vector<16xi1>, vector<16xf32>
    %add3A_1463 = arith.addf %add3A_1455, %select_n3A_1462 : vector<16xf32>
    %add3A_1464 = arith.constant 112 : i32
    %add3A_1465 = arith.addi %add3A_1464, %mul3A_69 : i32
    %add3A_1466 = vector.broadcast %add3A_1465 : i32 to vector<16xi32>
    %add3A_1467 = arith.addi %iota3A, %add3A_1466 : vector<16xi32>
    %lt3A_1468 = arith.cmpi slt, %add3A_1467, %gather3A_67 : vector<16xi32>
    %get3A_1469 = arith.constant 112 : index
    %get3A_1470 = tpu.vector_load %arg11[%get3A_1469] {strides = array<i32>} : memref<256xf32, #tpu.memory_space<vmem>>, vector<16xf32>,
    %get3A_1471 = vector.shape_cast %get3A_1470 : vector<16xf32> to vector<16xf32>
    %jit3A_1472 = arith.constant 0.000000e+00 : f32
    %broadcast_in_dim3A_1473 = vector.broadcast %jit3A_1472 : f32 to vector<16xf32>
    %select_n3A_1474 = arith.select %lt3A_1468, %get3A_1471, %broadcast_in_dim3A_1473 : vector<16xi1>, vector<16xf32>
    %add3A_1475 = arith.addf %add3A_1463, %select_n3A_1474 : vector<16xf32>
    %le3A_1476 = arith.cmpi sle, %add3A_1467, %gather3A_67 : vector<16xi32>
    %get3A_1477 = arith.constant 112 : index
    %get3A_1478 = tpu.vector_load %arg12[%get3A_1477] {strides = array<i32>} : memref<256xf32, #tpu.memory_space<vmem>>, vector<16xf32>,
    %get3A_1479 = vector.shape_cast %get3A_1478 : vector<16xf32> to vector<16xf32>
    %jit3A_1480 = arith.constant 0.000000e+00 : f32
    %broadcast_in_dim3A_1481 = vector.broadcast %jit3A_1480 : f32 to vector<16xf32>
    %select_n3A_1482 = arith.select %le3A_1476, %get3A_1479, %broadcast_in_dim3A_1481 : vector<16xi1>, vector<16xf32>
    %add3A_1483 = arith.addf %add3A_1475, %select_n3A_1482 : vector<16xf32>
    %add3A_1484 = arith.constant 128 : i32
    %add3A_1485 = arith.addi %add3A_1484, %mul3A_69 : i32
    %add3A_1486 = vector.broadcast %add3A_1485 : i32 to vector<16xi32>
    %add3A_1487 = arith.addi %iota3A, %add3A_1486 : vector<16xi32>
    %lt3A_1488 = arith.cmpi slt, %add3A_1487, %gather3A_67 : vector<16xi32>
    %get3A_1489 = arith.constant 128 : index
    %get3A_1490 = tpu.vector_load %arg11[%get3A_1489] {strides = array<i32>} : memref<256xf32, #tpu.memory_space<vmem>>, vector<16xf32>,
    %get3A_1491 = vector.shape_cast %get3A_1490 : vector<16xf32> to vector<16xf32>
    %jit3A_1492 = arith.constant 0.000000e+00 : f32
    %broadcast_in_dim3A_1493 = vector.broadcast %jit3A_1492 : f32 to vector<16xf32>
    %select_n3A_1494 = arith.select %lt3A_1488, %get3A_1491, %broadcast_in_dim3A_1493 : vector<16xi1>, vector<16xf32>
    %add3A_1495 = arith.addf %add3A_1483, %select_n3A_1494 : vector<16xf32>
    %le3A_1496 = arith.cmpi sle, %add3A_1487, %gather3A_67 : vector<16xi32>
    %get3A_1497 = arith.constant 128 : index
    %get3A_1498 = tpu.vector_load %arg12[%get3A_1497] {strides = array<i32>} : memref<256xf32, #tpu.memory_space<vmem>>, vector<16xf32>,
    %get3A_1499 = vector.shape_cast %get3A_1498 : vector<16xf32> to vector<16xf32>
    %jit3A_1500 = arith.constant 0.000000e+00 : f32
    %broadcast_in_dim3A_1501 = vector.broadcast %jit3A_1500 : f32 to vector<16xf32>
    %select_n3A_1502 = arith.select %le3A_1496, %get3A_1499, %broadcast_in_dim3A_1501 : vector<16xi1>, vector<16xf32>
    %add3A_1503 = arith.addf %add3A_1495, %select_n3A_1502 : vector<16xf32>
    %add3A_1504 = arith.constant 144 : i32
    %add3A_1505 = arith.addi %add3A_1504, %mul3A_69 : i32
    %add3A_1506 = vector.broadcast %add3A_1505 : i32 to vector<16xi32>
    %add3A_1507 = arith.addi %iota3A, %add3A_1506 : vector<16xi32>
    %lt3A_1508 = arith.cmpi slt, %add3A_1507, %gather3A_67 : vector<16xi32>
    %get3A_1509 = arith.constant 144 : index
    %get3A_1510 = tpu.vector_load %arg11[%get3A_1509] {strides = array<i32>} : memref<256xf32, #tpu.memory_space<vmem>>, vector<16xf32>,
    %get3A_1511 = vector.shape_cast %get3A_1510 : vector<16xf32> to vector<16xf32>
    %jit3A_1512 = arith.constant 0.000000e+00 : f32
    %broadcast_in_dim3A_1513 = vector.broadcast %jit3A_1512 : f32 to vector<16xf32>
    %select_n3A_1514 = arith.select %lt3A_1508, %get3A_1511, %broadcast_in_dim3A_1513 : vector<16xi1>, vector<16xf32>
    %add3A_1515 = arith.addf %add3A_1503, %select_n3A_1514 : vector<16xf32>
    %le3A_1516 = arith.cmpi sle, %add3A_1507, %gather3A_67 : vector<16xi32>
    %get3A_1517 = arith.constant 144 : index
    %get3A_1518 = tpu.vector_load %arg12[%get3A_1517] {strides = array<i32>} : memref<256xf32, #tpu.memory_space<vmem>>, vector<16xf32>,
    %get3A_1519 = vector.shape_cast %get3A_1518 : vector<16xf32> to vector<16xf32>
    %jit3A_1520 = arith.constant 0.000000e+00 : f32
    %broadcast_in_dim3A_1521 = vector.broadcast %jit3A_1520 : f32 to vector<16xf32>
    %select_n3A_1522 = arith.select %le3A_1516, %get3A_1519, %broadcast_in_dim3A_1521 : vector<16xi1>, vector<16xf32>
    %add3A_1523 = arith.addf %add3A_1515, %select_n3A_1522 : vector<16xf32>
    %add3A_1524 = arith.constant 160 : i32
    %add3A_1525 = arith.addi %add3A_1524, %mul3A_69 : i32
    %add3A_1526 = vector.broadcast %add3A_1525 : i32 to vector<16xi32>
    %add3A_1527 = arith.addi %iota3A, %add3A_1526 : vector<16xi32>
    %lt3A_1528 = arith.cmpi slt, %add3A_1527, %gather3A_67 : vector<16xi32>
    %get3A_1529 = arith.constant 160 : index
    %get3A_1530 = tpu.vector_load %arg11[%get3A_1529] {strides = array<i32>} : memref<256xf32, #tpu.memory_space<vmem>>, vector<16xf32>,
    %get3A_1531 = vector.shape_cast %get3A_1530 : vector<16xf32> to vector<16xf32>
    %jit3A_1532 = arith.constant 0.000000e+00 : f32
    %broadcast_in_dim3A_1533 = vector.broadcast %jit3A_1532 : f32 to vector<16xf32>
    %select_n3A_1534 = arith.select %lt3A_1528, %get3A_1531, %broadcast_in_dim3A_1533 : vector<16xi1>, vector<16xf32>
    %add3A_1535 = arith.addf %add3A_1523, %select_n3A_1534 : vector<16xf32>
    %le3A_1536 = arith.cmpi sle, %add3A_1527, %gather3A_67 : vector<16xi32>
    %get3A_1537 = arith.constant 160 : index
    %get3A_1538 = tpu.vector_load %arg12[%get3A_1537] {strides = array<i32>} : memref<256xf32, #tpu.memory_space<vmem>>, vector<16xf32>,
    %get3A_1539 = vector.shape_cast %get3A_1538 : vector<16xf32> to vector<16xf32>
    %jit3A_1540 = arith.constant 0.000000e+00 : f32
    %broadcast_in_dim3A_1541 = vector.broadcast %jit3A_1540 : f32 to vector<16xf32>
    %select_n3A_1542 = arith.select %le3A_1536, %get3A_1539, %broadcast_in_dim3A_1541 : vector<16xi1>, vector<16xf32>
    %add3A_1543 = arith.addf %add3A_1535, %select_n3A_1542 : vector<16xf32>
    %add3A_1544 = arith.constant 176 : i32
    %add3A_1545 = arith.addi %add3A_1544, %mul3A_69 : i32
    %add3A_1546 = vector.broadcast %add3A_1545 : i32 to vector<16xi32>
    %add3A_1547 = arith.addi %iota3A, %add3A_1546 : vector<16xi32>
    %lt3A_1548 = arith.cmpi slt, %add3A_1547, %gather3A_67 : vector<16xi32>
    %get3A_1549 = arith.constant 176 : index
    %get3A_1550 = tpu.vector_load %arg11[%get3A_1549] {strides = array<i32>} : memref<256xf32, #tpu.memory_space<vmem>>, vector<16xf32>,
    %get3A_1551 = vector.shape_cast %get3A_1550 : vector<16xf32> to vector<16xf32>
    %jit3A_1552 = arith.constant 0.000000e+00 : f32
    %broadcast_in_dim3A_1553 = vector.broadcast %jit3A_1552 : f32 to vector<16xf32>
    %select_n3A_1554 = arith.select %lt3A_1548, %get3A_1551, %broadcast_in_dim3A_1553 : vector<16xi1>, vector<16xf32>
    %add3A_1555 = arith.addf %add3A_1543, %select_n3A_1554 : vector<16xf32>
    %le3A_1556 = arith.cmpi sle, %add3A_1547, %gather3A_67 : vector<16xi32>
    %get3A_1557 = arith.constant 176 : index
    %get3A_1558 = tpu.vector_load %arg12[%get3A_1557] {strides = array<i32>} : memref<256xf32, #tpu.memory_space<vmem>>, vector<16xf32>,
    %get3A_1559 = vector.shape_cast %get3A_1558 : vector<16xf32> to vector<16xf32>
    %jit3A_1560 = arith.constant 0.000000e+00 : f32
    %broadcast_in_dim3A_1561 = vector.broadcast %jit3A_1560 : f32 to vector<16xf32>
    %select_n3A_1562 = arith.select %le3A_1556, %get3A_1559, %broadcast_in_dim3A_1561 : vector<16xi1>, vector<16xf32>
    %add3A_1563 = arith.addf %add3A_1555, %select_n3A_1562 : vector<16xf32>
    %add3A_1564 = arith.constant 192 : i32
    %add3A_1565 = arith.addi %add3A_1564, %mul3A_69 : i32
    %add3A_1566 = vector.broadcast %add3A_1565 : i32 to vector<16xi32>
    %add3A_1567 = arith.addi %iota3A, %add3A_1566 : vector<16xi32>
    %lt3A_1568 = arith.cmpi slt, %add3A_1567, %gather3A_67 : vector<16xi32>
    %get3A_1569 = arith.constant 192 : index
    %get3A_1570 = tpu.vector_load %arg11[%get3A_1569] {strides = array<i32>} : memref<256xf32, #tpu.memory_space<vmem>>, vector<16xf32>,
    %get3A_1571 = vector.shape_cast %get3A_1570 : vector<16xf32> to vector<16xf32>
    %jit3A_1572 = arith.constant 0.000000e+00 : f32
    %broadcast_in_dim3A_1573 = vector.broadcast %jit3A_1572 : f32 to vector<16xf32>
    %select_n3A_1574 = arith.select %lt3A_1568, %get3A_1571, %broadcast_in_dim3A_1573 : vector<16xi1>, vector<16xf32>
    %add3A_1575 = arith.addf %add3A_1563, %select_n3A_1574 : vector<16xf32>
    %le3A_1576 = arith.cmpi sle, %add3A_1567, %gather3A_67 : vector<16xi32>
    %get3A_1577 = arith.constant 192 : index
    %get3A_1578 = tpu.vector_load %arg12[%get3A_1577] {strides = array<i32>} : memref<256xf32, #tpu.memory_space<vmem>>, vector<16xf32>,
    %get3A_1579 = vector.shape_cast %get3A_1578 : vector<16xf32> to vector<16xf32>
    %jit3A_1580 = arith.constant 0.000000e+00 : f32
    %broadcast_in_dim3A_1581 = vector.broadcast %jit3A_1580 : f32 to vector<16xf32>
    %select_n3A_1582 = arith.select %le3A_1576, %get3A_1579, %broadcast_in_dim3A_1581 : vector<16xi1>, vector<16xf32>
    %add3A_1583 = arith.addf %add3A_1575, %select_n3A_1582 : vector<16xf32>
    %add3A_1584 = arith.constant 208 : i32
    %add3A_1585 = arith.addi %add3A_1584, %mul3A_69 : i32
    %add3A_1586 = vector.broadcast %add3A_1585 : i32 to vector<16xi32>
    %add3A_1587 = arith.addi %iota3A, %add3A_1586 : vector<16xi32>
    %lt3A_1588 = arith.cmpi slt, %add3A_1587, %gather3A_67 : vector<16xi32>
    %get3A_1589 = arith.constant 208 : index
    %get3A_1590 = tpu.vector_load %arg11[%get3A_1589] {strides = array<i32>} : memref<256xf32, #tpu.memory_space<vmem>>, vector<16xf32>,
    %get3A_1591 = vector.shape_cast %get3A_1590 : vector<16xf32> to vector<16xf32>
    %jit3A_1592 = arith.constant 0.000000e+00 : f32
    %broadcast_in_dim3A_1593 = vector.broadcast %jit3A_1592 : f32 to vector<16xf32>
    %select_n3A_1594 = arith.select %lt3A_1588, %get3A_1591, %broadcast_in_dim3A_1593 : vector<16xi1>, vector<16xf32>
    %add3A_1595 = arith.addf %add3A_1583, %select_n3A_1594 : vector<16xf32>
    %le3A_1596 = arith.cmpi sle, %add3A_1587, %gather3A_67 : vector<16xi32>
    %get3A_1597 = arith.constant 208 : index
    %get3A_1598 = tpu.vector_load %arg12[%get3A_1597] {strides = array<i32>} : memref<256xf32, #tpu.memory_space<vmem>>, vector<16xf32>,
    %get3A_1599 = vector.shape_cast %get3A_1598 : vector<16xf32> to vector<16xf32>
    %jit3A_1600 = arith.constant 0.000000e+00 : f32
    %broadcast_in_dim3A_1601 = vector.broadcast %jit3A_1600 : f32 to vector<16xf32>
    %select_n3A_1602 = arith.select %le3A_1596, %get3A_1599, %broadcast_in_dim3A_1601 : vector<16xi1>, vector<16xf32>
    %add3A_1603 = arith.addf %add3A_1595, %select_n3A_1602 : vector<16xf32>
    %add3A_1604 = arith.constant 224 : i32
    %add3A_1605 = arith.addi %add3A_1604, %mul3A_69 : i32
    %add3A_1606 = vector.broadcast %add3A_1605 : i32 to vector<16xi32>
    %add3A_1607 = arith.addi %iota3A, %add3A_1606 : vector<16xi32>
    %lt3A_1608 = arith.cmpi slt, %add3A_1607, %gather3A_67 : vector<16xi32>
    %get3A_1609 = arith.constant 224 : index
    %get3A_1610 = tpu.vector_load %arg11[%get3A_1609] {strides = array<i32>} : memref<256xf32, #tpu.memory_space<vmem>>, vector<16xf32>,
    %get3A_1611 = vector.shape_cast %get3A_1610 : vector<16xf32> to vector<16xf32>
    %jit3A_1612 = arith.constant 0.000000e+00 : f32
    %broadcast_in_dim3A_1613 = vector.broadcast %jit3A_1612 : f32 to vector<16xf32>
    %select_n3A_1614 = arith.select %lt3A_1608, %get3A_1611, %broadcast_in_dim3A_1613 : vector<16xi1>, vector<16xf32>
    %add3A_1615 = arith.addf %add3A_1603, %select_n3A_1614 : vector<16xf32>
    %le3A_1616 = arith.cmpi sle, %add3A_1607, %gather3A_67 : vector<16xi32>
    %get3A_1617 = arith.constant 224 : index
    %get3A_1618 = tpu.vector_load %arg12[%get3A_1617] {strides = array<i32>} : memref<256xf32, #tpu.memory_space<vmem>>, vector<16xf32>,
    %get3A_1619 = vector.shape_cast %get3A_1618 : vector<16xf32> to vector<16xf32>
    %jit3A_1620 = arith.constant 0.000000e+00 : f32
    %broadcast_in_dim3A_1621 = vector.broadcast %jit3A_1620 : f32 to vector<16xf32>
    %select_n3A_1622 = arith.select %le3A_1616, %get3A_1619, %broadcast_in_dim3A_1621 : vector<16xi1>, vector<16xf32>
    %add3A_1623 = arith.addf %add3A_1615, %select_n3A_1622 : vector<16xf32>
    %add3A_1624 = arith.constant 240 : i32
    %add3A_1625 = arith.addi %add3A_1624, %mul3A_69 : i32
    %add3A_1626 = vector.broadcast %add3A_1625 : i32 to vector<16xi32>
    %add3A_1627 = arith.addi %iota3A, %add3A_1626 : vector<16xi32>
    %lt3A_1628 = arith.cmpi slt, %add3A_1627, %gather3A_67 : vector<16xi32>
    %get3A_1629 = arith.constant 240 : index
    %get3A_1630 = tpu.vector_load %arg11[%get3A_1629] {strides = array<i32>} : memref<256xf32, #tpu.memory_space<vmem>>, vector<16xf32>,
    %get3A_1631 = vector.shape_cast %get3A_1630 : vector<16xf32> to vector<16xf32>
    %jit3A_1632 = arith.constant 0.000000e+00 : f32
    %broadcast_in_dim3A_1633 = vector.broadcast %jit3A_1632 : f32 to vector<16xf32>
    %select_n3A_1634 = arith.select %lt3A_1628, %get3A_1631, %broadcast_in_dim3A_1633 : vector<16xi1>, vector<16xf32>
    %add3A_1635 = arith.addf %add3A_1623, %select_n3A_1634 : vector<16xf32>
    %le3A_1636 = arith.cmpi sle, %add3A_1627, %gather3A_67 : vector<16xi32>
    %get3A_1637 = arith.constant 240 : index
    %get3A_1638 = tpu.vector_load %arg12[%get3A_1637] {strides = array<i32>} : memref<256xf32, #tpu.memory_space<vmem>>, vector<16xf32>,
    %get3A_1639 = vector.shape_cast %get3A_1638 : vector<16xf32> to vector<16xf32>
    %jit3A_1640 = arith.constant 0.000000e+00 : f32
    %broadcast_in_dim3A_1641 = vector.broadcast %jit3A_1640 : f32 to vector<16xf32>
    %select_n3A_1642 = arith.select %le3A_1636, %get3A_1639, %broadcast_in_dim3A_1641 : vector<16xi1>, vector<16xf32>
    %add3A_1643 = arith.addf %add3A_1635, %select_n3A_1642 : vector<16xf32>
    %swap3A_1644 = arith.constant 0 : index
    %swap3A_1645 = tpu.vector_load %arg13[%swap3A_1644] {strides = array<i32>} : memref<16xf32, #tpu.memory_space<vmem>>, vector<16xf32>,
    %swap3A_1646 = vector.shape_cast %swap3A_1645 : vector<16xf32> to vector<16xf32>
    %swap3A_1647 = vector.shape_cast %add3A_1643 : vector<16xf32> to vector<16xf32>
    tpu.vector_store %arg13[%swap3A_1644], %swap3A_1647 {strides = array<i32>} : memref<16xf32, #tpu.memory_space<vmem>>, vector<16xf32>,
    "tpu.region"() ({
      %run_scoped3A = tpu.sem_alloc : memref<!tpu.dma_semaphore, #tpu.memory_space<semaphore_mem>>
      %dma_start3A_1648 = arith.constant 0 : i32
      %dma_start3A_1649 = tpu.memref_slice %arg6[%add3A, %dma_start3A_1648] : memref<32x16xf32, #tpu.memory_space<hbm>> -> memref<1x16xf32, #tpu.memory_space<hbm>>
      %dma_start3A_1650 = tpu.memref_squeeze %dma_start3A_1649 : memref<1x16xf32, #tpu.memory_space<hbm>> -> memref<16xf32, #tpu.memory_space<hbm>>
      %dma_start3A_1651 = arith.constant 0 : i32
      %dma_start3A_1652 = tpu.memref_slice %arg6[%add3A, %dma_start3A_1651] : memref<32x16xf32, #tpu.memory_space<hbm>> -> memref<1x16xf32, #tpu.memory_space<hbm>>
      %dma_start3A_1653 = tpu.memref_squeeze %dma_start3A_1652 : memref<1x16xf32, #tpu.memory_space<hbm>> -> memref<16xf32, #tpu.memory_space<hbm>>
      tpu.enqueue_dma source(%arg13 : memref<16xf32, #tpu.memory_space<vmem>>) target(%dma_start3A_1653 : memref<16xf32, #tpu.memory_space<hbm>>) target_semaphore(%run_scoped3A : memref<!tpu.dma_semaphore, #tpu.memory_space<semaphore_mem>>)
      %dma_wait3A_1654 = arith.constant 0 : i32
      %dma_wait3A_1655 = tpu.memref_slice %arg6[%add3A, %dma_wait3A_1654] : memref<32x16xf32, #tpu.memory_space<hbm>> -> memref<1x16xf32, #tpu.memory_space<hbm>>
      %dma_wait3A_1656 = tpu.memref_squeeze %dma_wait3A_1655 : memref<1x16xf32, #tpu.memory_space<hbm>> -> memref<16xf32, #tpu.memory_space<hbm>>
      %dma_wait3A_1657 = arith.constant 0 : i32
      %dma_wait3A_1658 = tpu.memref_slice %arg6[%add3A, %dma_wait3A_1657] : memref<32x16xf32, #tpu.memory_space<hbm>> -> memref<1x16xf32, #tpu.memory_space<hbm>>
      %dma_wait3A_1659 = tpu.memref_squeeze %dma_wait3A_1658 : memref<1x16xf32, #tpu.memory_space<hbm>> -> memref<16xf32, #tpu.memory_space<hbm>>
      tpu.wait_dma2 semaphore(%run_scoped3A : memref<!tpu.dma_semaphore, #tpu.memory_space<semaphore_mem>>) src(%arg13 : memref<16xf32, #tpu.memory_space<vmem>>) dst(%dma_wait3A_1659 : memref<16xf32, #tpu.memory_space<hbm>>)
      tpu.yield
    }) : () -> ()
    return
  }
}

module attributes {stable_mosaic.version = 14 : i64} {
  func.func @_fwd_kernel(%arg0: memref<16x512x128xf32, #tpu.memory_space<vmem>>, %arg1: memref<128x128xf32, #tpu.memory_space<vmem>>, %arg2: memref<16x1xi32, #tpu.memory_space<vmem>>, %arg3: memref<1x1xf32, #tpu.memory_space<vmem>>) attributes {dimension_semantics = [], scalar_prefetch = 0 : i64, scratch_operands = 0 : i64, tpu.core_type = #tpu.core_type<tc>} {
    %get3A = arith.constant 0 : index
    %get3A_0 = arith.constant 0 : index
    %get3A_1 = vector.load %arg1[%get3A, %get3A_0] : memref<128x128xf32, #tpu.memory_space<vmem>>, vector<128x128xf32>
    %exp3A = math.exp %get3A_1 : vector<128x128xf32>
    %transpose3A = tpu.transpose %exp3A, [1, 0] : vector<128x128xf32> -> vector<128x128xf32>
    %convert_element_type3A = arith.truncf %transpose3A : vector<128x128xf32> to vector<128x128xbf16>
    %iota3A = tpu.iota {dimensions = array<i32: 1>} : vector<16x128xi32>
    %eq3A = arith.constant 126 : i32
    %eq3A_2 = vector.broadcast %eq3A : i32 to vector<16x128xi32>
    %eq3A_3 = arith.cmpi eq, %iota3A, %eq3A_2 : vector<16x128xi32>
    %convert_element_type3A_4 = arith.extui %eq3A_3 : vector<16x128xi1> to vector<16x128xi32>
    %convert_element_type3A_5 = arith.sitofp %convert_element_type3A_4 : vector<16x128xi32> to vector<16x128xf32>
    %get3A_6 = arith.constant 0 : index
    %get3A_7 = arith.constant 0 : index
    %get3A_8 = vector.load %arg2[%get3A_6, %get3A_7] : memref<16x1xi32, #tpu.memory_space<vmem>>, vector<16x1xi32>
    %broadcast_in_dim3A = arith.constant 0 : i32
    %broadcast_in_dim3A_9 = vector.broadcast %broadcast_in_dim3A : i32 to vector<16x1xi32>
    %reduce_max3A = vector.shape_cast %get3A_8 : vector<16x1xi32> to vector<1x16x1xi32>
    %reduce_max3A_10 = arith.constant dense<-2147483648> : vector<1xi32>
    %reduce_max3A_11 = vector.multi_reduction <maxsi>, %reduce_max3A, %reduce_max3A_10 [1, 2] : vector<1x16x1xi32> to vector<1xi32>
    %reduce_max3A_12 = vector.shape_cast %reduce_max3A_11 : vector<1xi32> to vector<1x1x1xi32>
    %reduce_max3A_13 = vector.extract %reduce_max3A_12[0, 0, 0] : i32 from vector<1x1x1xi32>
    %jit3A = arith.constant 8 : i32
    %div3A = arith.divsi %reduce_max3A_13, %jit3A : i32
    %sign3A = arith.constant 0 : i32
    %sign3A_14 = arith.cmpi sgt, %reduce_max3A_13, %sign3A : i32
    %sign3A_15 = arith.extui %sign3A_14 : i1 to i32
    %sign3A_16 = arith.constant 0 : i32
    %sign3A_17 = arith.cmpi slt, %reduce_max3A_13, %sign3A_16 : i32
    %sign3A_18 = arith.extui %sign3A_17 : i1 to i32
    %sign3A_19 = arith.subi %sign3A_15, %sign3A_18 : i32
    %sign3A_20 = arith.constant 0 : i32
    %sign3A_21 = arith.cmpi sgt, %jit3A, %sign3A_20 : i32
    %sign3A_22 = arith.extui %sign3A_21 : i1 to i32
    %sign3A_23 = arith.constant 0 : i32
    %sign3A_24 = arith.cmpi slt, %jit3A, %sign3A_23 : i32
    %sign3A_25 = arith.extui %sign3A_24 : i1 to i32
    %sign3A_26 = arith.subi %sign3A_22, %sign3A_25 : i32
    %ne3A = arith.cmpi ne, %sign3A_19, %sign3A_26 : i32
    %rem3A = arith.remsi %reduce_max3A_13, %jit3A : i32
    %ne3A_27 = arith.constant 0 : i32
    %ne3A_28 = arith.cmpi ne, %rem3A, %ne3A_27 : i32
    %and3A = arith.andi %ne3A, %ne3A_28 : i1
    %sub3A = arith.constant 1 : i32
    %sub3A_29 = arith.subi %div3A, %sub3A : i32
    %select_n3A = arith.select %and3A, %sub3A_29, %div3A : i32
    %add3A = arith.constant 1 : i32
    %add3A_30 = arith.addi %select_n3A, %add3A : i32
    %broadcast_in_dim3A_31 = arith.constant 1.000000e+00 : f32
    %broadcast_in_dim3A_32 = vector.broadcast %broadcast_in_dim3A_31 : f32 to vector<16x1xf32>
    %while3A = arith.constant 0 : i32
    %while3A_33 = arith.subi %add3A_30, %while3A : i32
    %while3A_34 = arith.addi %while3A, %while3A_33 : i32
    %while3A_35 = arith.constant 1 : i32
    %while3A_36 = arith.divsi %while3A_33, %while3A_35 : i32
    %while3A_37 = arith.muli %while3A_36, %while3A_35 : i32
    %while3A_38 = arith.addi %while3A, %while3A_37 : i32
    %while3A_39 = arith.constant 1 : i32
    %while3A_40:4 = scf.for %while3A_58 = %while3A to %while3A_38 step %while3A_39 iter_args(%while3A_59 = %convert_element_type3A_5, %while3A_60 = %broadcast_in_dim3A_9, %while3A_61 = %broadcast_in_dim3A_32, %while3A_62 = %broadcast_in_dim3A_9) -> (vector<16x128xf32>, vector<16x1xi32>, vector<16x1xf32>, vector<16x1xi32>)  : i32 {
      %mul3A_63 = arith.constant 8 : i32
      %mul3A_64 = arith.muli %while3A_58, %mul3A_63 : i32
      %multiple_of3A = tpu.assume_multiple %mul3A_64, 8 : i32
      %get3A_65 = arith.constant 0 : index
      %get3A_66 = arith.index_cast %multiple_of3A : i32 to index
      %get3A_67 = arith.constant 0 : index
      %get3A_68 = vector.load %arg0[%get3A_65, %get3A_66, %get3A_67] : memref<16x512x128xf32, #tpu.memory_space<vmem>>, vector<16x8x128xf32>
      %sub3A_69 = arith.constant 6.000000e+00 : f32
      %sub3A_70 = vector.broadcast %sub3A_69 : f32 to vector<16x8x128xf32>
      %sub3A_71 = arith.subf %get3A_68, %sub3A_70 : vector<16x8x128xf32>
      %exp3A_72 = math.exp %sub3A_71 : vector<16x8x128xf32>
      %add3A_73 = arith.constant 0 : i32
      %add3A_74 = arith.addi %mul3A_64, %add3A_73 : i32
      %convert_element_type3A_75 = arith.truncf %while3A_59 : vector<16x128xf32> to vector<16x128xbf16>
      %dot_general3A = arith.constant dense<0.000000e+00> : vector<16x128xf32>
      %dot_general3A_76 = tpu.matmul %convert_element_type3A_75, %convert_element_type3A, %dot_general3A {dimension_numbers = #tpu.dot_dimension_numbers<[1], [0], [0], [1], [0, 0, 1, 1], [], []>, transpose_lhs_hint = false} : vector<16x128xbf16>, vector<128x128xbf16>, vector<16x128xf32> -> vector<16x128xf32>
      %eq3A_77 = vector.broadcast %add3A_74 : i32 to vector<16x1xi32>
      %eq3A_78 = arith.cmpi eq, %get3A_8, %eq3A_77 : vector<16x1xi32>
      %slice3A = vector.extract_strided_slice %dot_general3A_76 {offsets = [0, 127], sizes = [16, 1], strides = [1, 1]} : vector<16x128xf32> to vector<16x1xf32>
      %select_n3A_79 = arith.select %eq3A_78, %slice3A, %while3A_61 : vector<16x1xi1>, vector<16x1xf32>
      %select_n3A_80 = arith.select %eq3A_78, %while3A_60, %while3A_62 : vector<16x1xi1>, vector<16x1xi32>
      %slice3A_81 = vector.extract_strided_slice %exp3A_72 {offsets = [0, 0, 0], sizes = [16, 1, 128], strides = [1, 1, 1]} : vector<16x8x128xf32> to vector<16x1x128xf32>
      %squeeze3A = vector.shape_cast %slice3A_81 : vector<16x1x128xf32> to vector<16x128xf32>
      %mul3A_82 = arith.mulf %squeeze3A, %dot_general3A_76 : vector<16x128xf32>
      %add3A_83 = arith.constant 1 : i32
      %add3A_84 = arith.addi %mul3A_64, %add3A_83 : i32
      %convert_element_type3A_85 = arith.truncf %mul3A_82 : vector<16x128xf32> to vector<16x128xbf16>
      %dot_general3A_86 = arith.constant dense<0.000000e+00> : vector<16x128xf32>
      %dot_general3A_87 = tpu.matmul %convert_element_type3A_85, %convert_element_type3A, %dot_general3A_86 {dimension_numbers = #tpu.dot_dimension_numbers<[1], [0], [0], [1], [0, 0, 1, 1], [], []>, transpose_lhs_hint = false} : vector<16x128xbf16>, vector<128x128xbf16>, vector<16x128xf32> -> vector<16x128xf32>
      %eq3A_88 = vector.broadcast %add3A_84 : i32 to vector<16x1xi32>
      %eq3A_89 = arith.cmpi eq, %get3A_8, %eq3A_88 : vector<16x1xi32>
      %slice3A_90 = vector.extract_strided_slice %dot_general3A_87 {offsets = [0, 127], sizes = [16, 1], strides = [1, 1]} : vector<16x128xf32> to vector<16x1xf32>
      %select_n3A_91 = arith.select %eq3A_89, %slice3A_90, %select_n3A_79 : vector<16x1xi1>, vector<16x1xf32>
      %select_n3A_92 = arith.select %eq3A_89, %while3A_60, %select_n3A_80 : vector<16x1xi1>, vector<16x1xi32>
      %slice3A_93 = vector.extract_strided_slice %exp3A_72 {offsets = [0, 1, 0], sizes = [16, 1, 128], strides = [1, 1, 1]} : vector<16x8x128xf32> to vector<16x1x128xf32>
      %squeeze3A_94 = vector.shape_cast %slice3A_93 : vector<16x1x128xf32> to vector<16x128xf32>
      %mul3A_95 = arith.mulf %squeeze3A_94, %dot_general3A_87 : vector<16x128xf32>
      %add3A_96 = arith.constant 2 : i32
      %add3A_97 = arith.addi %mul3A_64, %add3A_96 : i32
      %convert_element_type3A_98 = arith.truncf %mul3A_95 : vector<16x128xf32> to vector<16x128xbf16>
      %dot_general3A_99 = arith.constant dense<0.000000e+00> : vector<16x128xf32>
      %dot_general3A_100 = tpu.matmul %convert_element_type3A_98, %convert_element_type3A, %dot_general3A_99 {dimension_numbers = #tpu.dot_dimension_numbers<[1], [0], [0], [1], [0, 0, 1, 1], [], []>, transpose_lhs_hint = false} : vector<16x128xbf16>, vector<128x128xbf16>, vector<16x128xf32> -> vector<16x128xf32>
      %eq3A_101 = vector.broadcast %add3A_97 : i32 to vector<16x1xi32>
      %eq3A_102 = arith.cmpi eq, %get3A_8, %eq3A_101 : vector<16x1xi32>
      %slice3A_103 = vector.extract_strided_slice %dot_general3A_100 {offsets = [0, 127], sizes = [16, 1], strides = [1, 1]} : vector<16x128xf32> to vector<16x1xf32>
      %select_n3A_104 = arith.select %eq3A_102, %slice3A_103, %select_n3A_91 : vector<16x1xi1>, vector<16x1xf32>
      %select_n3A_105 = arith.select %eq3A_102, %while3A_60, %select_n3A_92 : vector<16x1xi1>, vector<16x1xi32>
      %slice3A_106 = vector.extract_strided_slice %exp3A_72 {offsets = [0, 2, 0], sizes = [16, 1, 128], strides = [1, 1, 1]} : vector<16x8x128xf32> to vector<16x1x128xf32>
      %squeeze3A_107 = vector.shape_cast %slice3A_106 : vector<16x1x128xf32> to vector<16x128xf32>
      %mul3A_108 = arith.mulf %squeeze3A_107, %dot_general3A_100 : vector<16x128xf32>
      %add3A_109 = arith.constant 3 : i32
      %add3A_110 = arith.addi %mul3A_64, %add3A_109 : i32
      %convert_element_type3A_111 = arith.truncf %mul3A_108 : vector<16x128xf32> to vector<16x128xbf16>
      %dot_general3A_112 = arith.constant dense<0.000000e+00> : vector<16x128xf32>
      %dot_general3A_113 = tpu.matmul %convert_element_type3A_111, %convert_element_type3A, %dot_general3A_112 {dimension_numbers = #tpu.dot_dimension_numbers<[1], [0], [0], [1], [0, 0, 1, 1], [], []>, transpose_lhs_hint = false} : vector<16x128xbf16>, vector<128x128xbf16>, vector<16x128xf32> -> vector<16x128xf32>
      %eq3A_114 = vector.broadcast %add3A_110 : i32 to vector<16x1xi32>
      %eq3A_115 = arith.cmpi eq, %get3A_8, %eq3A_114 : vector<16x1xi32>
      %slice3A_116 = vector.extract_strided_slice %dot_general3A_113 {offsets = [0, 127], sizes = [16, 1], strides = [1, 1]} : vector<16x128xf32> to vector<16x1xf32>
      %select_n3A_117 = arith.select %eq3A_115, %slice3A_116, %select_n3A_104 : vector<16x1xi1>, vector<16x1xf32>
      %select_n3A_118 = arith.select %eq3A_115, %while3A_60, %select_n3A_105 : vector<16x1xi1>, vector<16x1xi32>
      %slice3A_119 = vector.extract_strided_slice %exp3A_72 {offsets = [0, 3, 0], sizes = [16, 1, 128], strides = [1, 1, 1]} : vector<16x8x128xf32> to vector<16x1x128xf32>
      %squeeze3A_120 = vector.shape_cast %slice3A_119 : vector<16x1x128xf32> to vector<16x128xf32>
      %mul3A_121 = arith.mulf %squeeze3A_120, %dot_general3A_113 : vector<16x128xf32>
      %add3A_122 = arith.constant 4 : i32
      %add3A_123 = arith.addi %mul3A_64, %add3A_122 : i32
      %convert_element_type3A_124 = arith.truncf %mul3A_121 : vector<16x128xf32> to vector<16x128xbf16>
      %dot_general3A_125 = arith.constant dense<0.000000e+00> : vector<16x128xf32>
      %dot_general3A_126 = tpu.matmul %convert_element_type3A_124, %convert_element_type3A, %dot_general3A_125 {dimension_numbers = #tpu.dot_dimension_numbers<[1], [0], [0], [1], [0, 0, 1, 1], [], []>, transpose_lhs_hint = false} : vector<16x128xbf16>, vector<128x128xbf16>, vector<16x128xf32> -> vector<16x128xf32>
      %eq3A_127 = vector.broadcast %add3A_123 : i32 to vector<16x1xi32>
      %eq3A_128 = arith.cmpi eq, %get3A_8, %eq3A_127 : vector<16x1xi32>
      %slice3A_129 = vector.extract_strided_slice %dot_general3A_126 {offsets = [0, 127], sizes = [16, 1], strides = [1, 1]} : vector<16x128xf32> to vector<16x1xf32>
      %select_n3A_130 = arith.select %eq3A_128, %slice3A_129, %select_n3A_117 : vector<16x1xi1>, vector<16x1xf32>
      %select_n3A_131 = arith.select %eq3A_128, %while3A_60, %select_n3A_118 : vector<16x1xi1>, vector<16x1xi32>
      %slice3A_132 = vector.extract_strided_slice %exp3A_72 {offsets = [0, 4, 0], sizes = [16, 1, 128], strides = [1, 1, 1]} : vector<16x8x128xf32> to vector<16x1x128xf32>
      %squeeze3A_133 = vector.shape_cast %slice3A_132 : vector<16x1x128xf32> to vector<16x128xf32>
      %mul3A_134 = arith.mulf %squeeze3A_133, %dot_general3A_126 : vector<16x128xf32>
      %add3A_135 = arith.constant 5 : i32
      %add3A_136 = arith.addi %mul3A_64, %add3A_135 : i32
      %convert_element_type3A_137 = arith.truncf %mul3A_134 : vector<16x128xf32> to vector<16x128xbf16>
      %dot_general3A_138 = arith.constant dense<0.000000e+00> : vector<16x128xf32>
      %dot_general3A_139 = tpu.matmul %convert_element_type3A_137, %convert_element_type3A, %dot_general3A_138 {dimension_numbers = #tpu.dot_dimension_numbers<[1], [0], [0], [1], [0, 0, 1, 1], [], []>, transpose_lhs_hint = false} : vector<16x128xbf16>, vector<128x128xbf16>, vector<16x128xf32> -> vector<16x128xf32>
      %eq3A_140 = vector.broadcast %add3A_136 : i32 to vector<16x1xi32>
      %eq3A_141 = arith.cmpi eq, %get3A_8, %eq3A_140 : vector<16x1xi32>
      %slice3A_142 = vector.extract_strided_slice %dot_general3A_139 {offsets = [0, 127], sizes = [16, 1], strides = [1, 1]} : vector<16x128xf32> to vector<16x1xf32>
      %select_n3A_143 = arith.select %eq3A_141, %slice3A_142, %select_n3A_130 : vector<16x1xi1>, vector<16x1xf32>
      %select_n3A_144 = arith.select %eq3A_141, %while3A_60, %select_n3A_131 : vector<16x1xi1>, vector<16x1xi32>
      %slice3A_145 = vector.extract_strided_slice %exp3A_72 {offsets = [0, 5, 0], sizes = [16, 1, 128], strides = [1, 1, 1]} : vector<16x8x128xf32> to vector<16x1x128xf32>
      %squeeze3A_146 = vector.shape_cast %slice3A_145 : vector<16x1x128xf32> to vector<16x128xf32>
      %mul3A_147 = arith.mulf %squeeze3A_146, %dot_general3A_139 : vector<16x128xf32>
      %add3A_148 = arith.constant 6 : i32
      %add3A_149 = arith.addi %mul3A_64, %add3A_148 : i32
      %convert_element_type3A_150 = arith.truncf %mul3A_147 : vector<16x128xf32> to vector<16x128xbf16>
      %dot_general3A_151 = arith.constant dense<0.000000e+00> : vector<16x128xf32>
      %dot_general3A_152 = tpu.matmul %convert_element_type3A_150, %convert_element_type3A, %dot_general3A_151 {dimension_numbers = #tpu.dot_dimension_numbers<[1], [0], [0], [1], [0, 0, 1, 1], [], []>, transpose_lhs_hint = false} : vector<16x128xbf16>, vector<128x128xbf16>, vector<16x128xf32> -> vector<16x128xf32>
      %eq3A_153 = vector.broadcast %add3A_149 : i32 to vector<16x1xi32>
      %eq3A_154 = arith.cmpi eq, %get3A_8, %eq3A_153 : vector<16x1xi32>
      %slice3A_155 = vector.extract_strided_slice %dot_general3A_152 {offsets = [0, 127], sizes = [16, 1], strides = [1, 1]} : vector<16x128xf32> to vector<16x1xf32>
      %select_n3A_156 = arith.select %eq3A_154, %slice3A_155, %select_n3A_143 : vector<16x1xi1>, vector<16x1xf32>
      %select_n3A_157 = arith.select %eq3A_154, %while3A_60, %select_n3A_144 : vector<16x1xi1>, vector<16x1xi32>
      %slice3A_158 = vector.extract_strided_slice %exp3A_72 {offsets = [0, 6, 0], sizes = [16, 1, 128], strides = [1, 1, 1]} : vector<16x8x128xf32> to vector<16x1x128xf32>
      %squeeze3A_159 = vector.shape_cast %slice3A_158 : vector<16x1x128xf32> to vector<16x128xf32>
      %mul3A_160 = arith.mulf %squeeze3A_159, %dot_general3A_152 : vector<16x128xf32>
      %add3A_161 = arith.constant 7 : i32
      %add3A_162 = arith.addi %mul3A_64, %add3A_161 : i32
      %convert_element_type3A_163 = arith.truncf %mul3A_160 : vector<16x128xf32> to vector<16x128xbf16>
      %dot_general3A_164 = arith.constant dense<0.000000e+00> : vector<16x128xf32>
      %dot_general3A_165 = tpu.matmul %convert_element_type3A_163, %convert_element_type3A, %dot_general3A_164 {dimension_numbers = #tpu.dot_dimension_numbers<[1], [0], [0], [1], [0, 0, 1, 1], [], []>, transpose_lhs_hint = false} : vector<16x128xbf16>, vector<128x128xbf16>, vector<16x128xf32> -> vector<16x128xf32>
      %eq3A_166 = vector.broadcast %add3A_162 : i32 to vector<16x1xi32>
      %eq3A_167 = arith.cmpi eq, %get3A_8, %eq3A_166 : vector<16x1xi32>
      %slice3A_168 = vector.extract_strided_slice %dot_general3A_165 {offsets = [0, 127], sizes = [16, 1], strides = [1, 1]} : vector<16x128xf32> to vector<16x1xf32>
      %select_n3A_169 = arith.select %eq3A_167, %slice3A_168, %select_n3A_156 : vector<16x1xi1>, vector<16x1xf32>
      %select_n3A_170 = arith.select %eq3A_167, %while3A_60, %select_n3A_157 : vector<16x1xi1>, vector<16x1xi32>
      %slice3A_171 = vector.extract_strided_slice %exp3A_72 {offsets = [0, 7, 0], sizes = [16, 1, 128], strides = [1, 1, 1]} : vector<16x8x128xf32> to vector<16x1x128xf32>
      %squeeze3A_172 = vector.shape_cast %slice3A_171 : vector<16x1x128xf32> to vector<16x128xf32>
      %mul3A_173 = arith.mulf %squeeze3A_172, %dot_general3A_165 : vector<16x128xf32>
      %reduce_max3A_174 = arith.constant dense<0xFF800000> : vector<16xf32>
      %reduce_max3A_175 = vector.multi_reduction <maximumf>, %mul3A_173, %reduce_max3A_174 [1] : vector<16x128xf32> to vector<16xf32>
      %broadcast_in_dim3A_176 = vector.shape_cast %reduce_max3A_175 : vector<16xf32> to vector<16x1xf32>
      %bitcast_convert_type3A = tpu.bitcast %broadcast_in_dim3A_176 : vector<16x1xf32> -> vector<16x1xi32>
      %and3A_177 = arith.constant 2139095040 : i32
      %and3A_178 = vector.broadcast %and3A_177 : i32 to vector<16x1xi32>
      %and3A_179 = arith.andi %bitcast_convert_type3A, %and3A_178 : vector<16x1xi32>
      %sub3A_180 = arith.constant 2130706432 : i32
      %sub3A_181 = vector.broadcast %sub3A_180 : i32 to vector<16x1xi32>
      %sub3A_182 = arith.subi %sub3A_181, %and3A_179 : vector<16x1xi32>
      %bitcast_convert_type3A_183 = tpu.bitcast %sub3A_182 : vector<16x1xi32> -> vector<16x1xf32>
      %mul3A_184 = vector.broadcast %bitcast_convert_type3A_183 : vector<16x1xf32> to vector<16x128xf32>
      %mul3A_185 = arith.mulf %mul3A_173, %mul3A_184 : vector<16x128xf32>
      %shift_right_arithmetic3A = arith.constant 23 : i32
      %shift_right_arithmetic3A_186 = vector.broadcast %shift_right_arithmetic3A : i32 to vector<16x1xi32>
      %shift_right_arithmetic3A_187 = arith.shrsi %and3A_179, %shift_right_arithmetic3A_186 : vector<16x1xi32>
      %add3A_188 = arith.addi %while3A_60, %shift_right_arithmetic3A_187 : vector<16x1xi32>
      %sub3A_189 = arith.constant 127 : i32
      %sub3A_190 = vector.broadcast %sub3A_189 : i32 to vector<16x1xi32>
      %sub3A_191 = arith.subi %add3A_188, %sub3A_190 : vector<16x1xi32>
      scf.yield %mul3A_185, %sub3A_191, %select_n3A_169, %select_n3A_170 : vector<16x128xf32>, vector<16x1xi32>, vector<16x1xf32>, vector<16x1xi32>
    }
    %while3A_41 = arith.constant 1 : i32
    %while3A_42:4 = scf.for %while3A_58 = %while3A_38 to %while3A_34 step %while3A_41 iter_args(%while3A_59 = %while3A_40#0, %while3A_60 = %while3A_40#1, %while3A_61 = %while3A_40#2, %while3A_62 = %while3A_40#3) -> (vector<16x128xf32>, vector<16x1xi32>, vector<16x1xf32>, vector<16x1xi32>)  : i32 {
      %mul3A_63 = arith.constant 8 : i32
      %mul3A_64 = arith.muli %while3A_58, %mul3A_63 : i32
      %multiple_of3A = tpu.assume_multiple %mul3A_64, 8 : i32
      %get3A_65 = arith.constant 0 : index
      %get3A_66 = arith.index_cast %multiple_of3A : i32 to index
      %get3A_67 = arith.constant 0 : index
      %get3A_68 = vector.load %arg0[%get3A_65, %get3A_66, %get3A_67] : memref<16x512x128xf32, #tpu.memory_space<vmem>>, vector<16x8x128xf32>
      %sub3A_69 = arith.constant 6.000000e+00 : f32
      %sub3A_70 = vector.broadcast %sub3A_69 : f32 to vector<16x8x128xf32>
      %sub3A_71 = arith.subf %get3A_68, %sub3A_70 : vector<16x8x128xf32>
      %exp3A_72 = math.exp %sub3A_71 : vector<16x8x128xf32>
      %add3A_73 = arith.constant 0 : i32
      %add3A_74 = arith.addi %mul3A_64, %add3A_73 : i32
      %convert_element_type3A_75 = arith.truncf %while3A_59 : vector<16x128xf32> to vector<16x128xbf16>
      %dot_general3A = arith.constant dense<0.000000e+00> : vector<16x128xf32>
      %dot_general3A_76 = tpu.matmul %convert_element_type3A_75, %convert_element_type3A, %dot_general3A {dimension_numbers = #tpu.dot_dimension_numbers<[1], [0], [0], [1], [0, 0, 1, 1], [], []>, transpose_lhs_hint = false} : vector<16x128xbf16>, vector<128x128xbf16>, vector<16x128xf32> -> vector<16x128xf32>
      %eq3A_77 = vector.broadcast %add3A_74 : i32 to vector<16x1xi32>
      %eq3A_78 = arith.cmpi eq, %get3A_8, %eq3A_77 : vector<16x1xi32>
      %slice3A = vector.extract_strided_slice %dot_general3A_76 {offsets = [0, 127], sizes = [16, 1], strides = [1, 1]} : vector<16x128xf32> to vector<16x1xf32>
      %select_n3A_79 = arith.select %eq3A_78, %slice3A, %while3A_61 : vector<16x1xi1>, vector<16x1xf32>
      %select_n3A_80 = arith.select %eq3A_78, %while3A_60, %while3A_62 : vector<16x1xi1>, vector<16x1xi32>
      %slice3A_81 = vector.extract_strided_slice %exp3A_72 {offsets = [0, 0, 0], sizes = [16, 1, 128], strides = [1, 1, 1]} : vector<16x8x128xf32> to vector<16x1x128xf32>
      %squeeze3A = vector.shape_cast %slice3A_81 : vector<16x1x128xf32> to vector<16x128xf32>
      %mul3A_82 = arith.mulf %squeeze3A, %dot_general3A_76 : vector<16x128xf32>
      %add3A_83 = arith.constant 1 : i32
      %add3A_84 = arith.addi %mul3A_64, %add3A_83 : i32
      %convert_element_type3A_85 = arith.truncf %mul3A_82 : vector<16x128xf32> to vector<16x128xbf16>
      %dot_general3A_86 = arith.constant dense<0.000000e+00> : vector<16x128xf32>
      %dot_general3A_87 = tpu.matmul %convert_element_type3A_85, %convert_element_type3A, %dot_general3A_86 {dimension_numbers = #tpu.dot_dimension_numbers<[1], [0], [0], [1], [0, 0, 1, 1], [], []>, transpose_lhs_hint = false} : vector<16x128xbf16>, vector<128x128xbf16>, vector<16x128xf32> -> vector<16x128xf32>
      %eq3A_88 = vector.broadcast %add3A_84 : i32 to vector<16x1xi32>
      %eq3A_89 = arith.cmpi eq, %get3A_8, %eq3A_88 : vector<16x1xi32>
      %slice3A_90 = vector.extract_strided_slice %dot_general3A_87 {offsets = [0, 127], sizes = [16, 1], strides = [1, 1]} : vector<16x128xf32> to vector<16x1xf32>
      %select_n3A_91 = arith.select %eq3A_89, %slice3A_90, %select_n3A_79 : vector<16x1xi1>, vector<16x1xf32>
      %select_n3A_92 = arith.select %eq3A_89, %while3A_60, %select_n3A_80 : vector<16x1xi1>, vector<16x1xi32>
      %slice3A_93 = vector.extract_strided_slice %exp3A_72 {offsets = [0, 1, 0], sizes = [16, 1, 128], strides = [1, 1, 1]} : vector<16x8x128xf32> to vector<16x1x128xf32>
      %squeeze3A_94 = vector.shape_cast %slice3A_93 : vector<16x1x128xf32> to vector<16x128xf32>
      %mul3A_95 = arith.mulf %squeeze3A_94, %dot_general3A_87 : vector<16x128xf32>
      %add3A_96 = arith.constant 2 : i32
      %add3A_97 = arith.addi %mul3A_64, %add3A_96 : i32
      %convert_element_type3A_98 = arith.truncf %mul3A_95 : vector<16x128xf32> to vector<16x128xbf16>
      %dot_general3A_99 = arith.constant dense<0.000000e+00> : vector<16x128xf32>
      %dot_general3A_100 = tpu.matmul %convert_element_type3A_98, %convert_element_type3A, %dot_general3A_99 {dimension_numbers = #tpu.dot_dimension_numbers<[1], [0], [0], [1], [0, 0, 1, 1], [], []>, transpose_lhs_hint = false} : vector<16x128xbf16>, vector<128x128xbf16>, vector<16x128xf32> -> vector<16x128xf32>
      %eq3A_101 = vector.broadcast %add3A_97 : i32 to vector<16x1xi32>
      %eq3A_102 = arith.cmpi eq, %get3A_8, %eq3A_101 : vector<16x1xi32>
      %slice3A_103 = vector.extract_strided_slice %dot_general3A_100 {offsets = [0, 127], sizes = [16, 1], strides = [1, 1]} : vector<16x128xf32> to vector<16x1xf32>
      %select_n3A_104 = arith.select %eq3A_102, %slice3A_103, %select_n3A_91 : vector<16x1xi1>, vector<16x1xf32>
      %select_n3A_105 = arith.select %eq3A_102, %while3A_60, %select_n3A_92 : vector<16x1xi1>, vector<16x1xi32>
      %slice3A_106 = vector.extract_strided_slice %exp3A_72 {offsets = [0, 2, 0], sizes = [16, 1, 128], strides = [1, 1, 1]} : vector<16x8x128xf32> to vector<16x1x128xf32>
      %squeeze3A_107 = vector.shape_cast %slice3A_106 : vector<16x1x128xf32> to vector<16x128xf32>
      %mul3A_108 = arith.mulf %squeeze3A_107, %dot_general3A_100 : vector<16x128xf32>
      %add3A_109 = arith.constant 3 : i32
      %add3A_110 = arith.addi %mul3A_64, %add3A_109 : i32
      %convert_element_type3A_111 = arith.truncf %mul3A_108 : vector<16x128xf32> to vector<16x128xbf16>
      %dot_general3A_112 = arith.constant dense<0.000000e+00> : vector<16x128xf32>
      %dot_general3A_113 = tpu.matmul %convert_element_type3A_111, %convert_element_type3A, %dot_general3A_112 {dimension_numbers = #tpu.dot_dimension_numbers<[1], [0], [0], [1], [0, 0, 1, 1], [], []>, transpose_lhs_hint = false} : vector<16x128xbf16>, vector<128x128xbf16>, vector<16x128xf32> -> vector<16x128xf32>
      %eq3A_114 = vector.broadcast %add3A_110 : i32 to vector<16x1xi32>
      %eq3A_115 = arith.cmpi eq, %get3A_8, %eq3A_114 : vector<16x1xi32>
      %slice3A_116 = vector.extract_strided_slice %dot_general3A_113 {offsets = [0, 127], sizes = [16, 1], strides = [1, 1]} : vector<16x128xf32> to vector<16x1xf32>
      %select_n3A_117 = arith.select %eq3A_115, %slice3A_116, %select_n3A_104 : vector<16x1xi1>, vector<16x1xf32>
      %select_n3A_118 = arith.select %eq3A_115, %while3A_60, %select_n3A_105 : vector<16x1xi1>, vector<16x1xi32>
      %slice3A_119 = vector.extract_strided_slice %exp3A_72 {offsets = [0, 3, 0], sizes = [16, 1, 128], strides = [1, 1, 1]} : vector<16x8x128xf32> to vector<16x1x128xf32>
      %squeeze3A_120 = vector.shape_cast %slice3A_119 : vector<16x1x128xf32> to vector<16x128xf32>
      %mul3A_121 = arith.mulf %squeeze3A_120, %dot_general3A_113 : vector<16x128xf32>
      %add3A_122 = arith.constant 4 : i32
      %add3A_123 = arith.addi %mul3A_64, %add3A_122 : i32
      %convert_element_type3A_124 = arith.truncf %mul3A_121 : vector<16x128xf32> to vector<16x128xbf16>
      %dot_general3A_125 = arith.constant dense<0.000000e+00> : vector<16x128xf32>
      %dot_general3A_126 = tpu.matmul %convert_element_type3A_124, %convert_element_type3A, %dot_general3A_125 {dimension_numbers = #tpu.dot_dimension_numbers<[1], [0], [0], [1], [0, 0, 1, 1], [], []>, transpose_lhs_hint = false} : vector<16x128xbf16>, vector<128x128xbf16>, vector<16x128xf32> -> vector<16x128xf32>
      %eq3A_127 = vector.broadcast %add3A_123 : i32 to vector<16x1xi32>
      %eq3A_128 = arith.cmpi eq, %get3A_8, %eq3A_127 : vector<16x1xi32>
      %slice3A_129 = vector.extract_strided_slice %dot_general3A_126 {offsets = [0, 127], sizes = [16, 1], strides = [1, 1]} : vector<16x128xf32> to vector<16x1xf32>
      %select_n3A_130 = arith.select %eq3A_128, %slice3A_129, %select_n3A_117 : vector<16x1xi1>, vector<16x1xf32>
      %select_n3A_131 = arith.select %eq3A_128, %while3A_60, %select_n3A_118 : vector<16x1xi1>, vector<16x1xi32>
      %slice3A_132 = vector.extract_strided_slice %exp3A_72 {offsets = [0, 4, 0], sizes = [16, 1, 128], strides = [1, 1, 1]} : vector<16x8x128xf32> to vector<16x1x128xf32>
      %squeeze3A_133 = vector.shape_cast %slice3A_132 : vector<16x1x128xf32> to vector<16x128xf32>
      %mul3A_134 = arith.mulf %squeeze3A_133, %dot_general3A_126 : vector<16x128xf32>
      %add3A_135 = arith.constant 5 : i32
      %add3A_136 = arith.addi %mul3A_64, %add3A_135 : i32
      %convert_element_type3A_137 = arith.truncf %mul3A_134 : vector<16x128xf32> to vector<16x128xbf16>
      %dot_general3A_138 = arith.constant dense<0.000000e+00> : vector<16x128xf32>
      %dot_general3A_139 = tpu.matmul %convert_element_type3A_137, %convert_element_type3A, %dot_general3A_138 {dimension_numbers = #tpu.dot_dimension_numbers<[1], [0], [0], [1], [0, 0, 1, 1], [], []>, transpose_lhs_hint = false} : vector<16x128xbf16>, vector<128x128xbf16>, vector<16x128xf32> -> vector<16x128xf32>
      %eq3A_140 = vector.broadcast %add3A_136 : i32 to vector<16x1xi32>
      %eq3A_141 = arith.cmpi eq, %get3A_8, %eq3A_140 : vector<16x1xi32>
      %slice3A_142 = vector.extract_strided_slice %dot_general3A_139 {offsets = [0, 127], sizes = [16, 1], strides = [1, 1]} : vector<16x128xf32> to vector<16x1xf32>
      %select_n3A_143 = arith.select %eq3A_141, %slice3A_142, %select_n3A_130 : vector<16x1xi1>, vector<16x1xf32>
      %select_n3A_144 = arith.select %eq3A_141, %while3A_60, %select_n3A_131 : vector<16x1xi1>, vector<16x1xi32>
      %slice3A_145 = vector.extract_strided_slice %exp3A_72 {offsets = [0, 5, 0], sizes = [16, 1, 128], strides = [1, 1, 1]} : vector<16x8x128xf32> to vector<16x1x128xf32>
      %squeeze3A_146 = vector.shape_cast %slice3A_145 : vector<16x1x128xf32> to vector<16x128xf32>
      %mul3A_147 = arith.mulf %squeeze3A_146, %dot_general3A_139 : vector<16x128xf32>
      %add3A_148 = arith.constant 6 : i32
      %add3A_149 = arith.addi %mul3A_64, %add3A_148 : i32
      %convert_element_type3A_150 = arith.truncf %mul3A_147 : vector<16x128xf32> to vector<16x128xbf16>
      %dot_general3A_151 = arith.constant dense<0.000000e+00> : vector<16x128xf32>
      %dot_general3A_152 = tpu.matmul %convert_element_type3A_150, %convert_element_type3A, %dot_general3A_151 {dimension_numbers = #tpu.dot_dimension_numbers<[1], [0], [0], [1], [0, 0, 1, 1], [], []>, transpose_lhs_hint = false} : vector<16x128xbf16>, vector<128x128xbf16>, vector<16x128xf32> -> vector<16x128xf32>
      %eq3A_153 = vector.broadcast %add3A_149 : i32 to vector<16x1xi32>
      %eq3A_154 = arith.cmpi eq, %get3A_8, %eq3A_153 : vector<16x1xi32>
      %slice3A_155 = vector.extract_strided_slice %dot_general3A_152 {offsets = [0, 127], sizes = [16, 1], strides = [1, 1]} : vector<16x128xf32> to vector<16x1xf32>
      %select_n3A_156 = arith.select %eq3A_154, %slice3A_155, %select_n3A_143 : vector<16x1xi1>, vector<16x1xf32>
      %select_n3A_157 = arith.select %eq3A_154, %while3A_60, %select_n3A_144 : vector<16x1xi1>, vector<16x1xi32>
      %slice3A_158 = vector.extract_strided_slice %exp3A_72 {offsets = [0, 6, 0], sizes = [16, 1, 128], strides = [1, 1, 1]} : vector<16x8x128xf32> to vector<16x1x128xf32>
      %squeeze3A_159 = vector.shape_cast %slice3A_158 : vector<16x1x128xf32> to vector<16x128xf32>
      %mul3A_160 = arith.mulf %squeeze3A_159, %dot_general3A_152 : vector<16x128xf32>
      %add3A_161 = arith.constant 7 : i32
      %add3A_162 = arith.addi %mul3A_64, %add3A_161 : i32
      %convert_element_type3A_163 = arith.truncf %mul3A_160 : vector<16x128xf32> to vector<16x128xbf16>
      %dot_general3A_164 = arith.constant dense<0.000000e+00> : vector<16x128xf32>
      %dot_general3A_165 = tpu.matmul %convert_element_type3A_163, %convert_element_type3A, %dot_general3A_164 {dimension_numbers = #tpu.dot_dimension_numbers<[1], [0], [0], [1], [0, 0, 1, 1], [], []>, transpose_lhs_hint = false} : vector<16x128xbf16>, vector<128x128xbf16>, vector<16x128xf32> -> vector<16x128xf32>
      %eq3A_166 = vector.broadcast %add3A_162 : i32 to vector<16x1xi32>
      %eq3A_167 = arith.cmpi eq, %get3A_8, %eq3A_166 : vector<16x1xi32>
      %slice3A_168 = vector.extract_strided_slice %dot_general3A_165 {offsets = [0, 127], sizes = [16, 1], strides = [1, 1]} : vector<16x128xf32> to vector<16x1xf32>
      %select_n3A_169 = arith.select %eq3A_167, %slice3A_168, %select_n3A_156 : vector<16x1xi1>, vector<16x1xf32>
      %select_n3A_170 = arith.select %eq3A_167, %while3A_60, %select_n3A_157 : vector<16x1xi1>, vector<16x1xi32>
      %slice3A_171 = vector.extract_strided_slice %exp3A_72 {offsets = [0, 7, 0], sizes = [16, 1, 128], strides = [1, 1, 1]} : vector<16x8x128xf32> to vector<16x1x128xf32>
      %squeeze3A_172 = vector.shape_cast %slice3A_171 : vector<16x1x128xf32> to vector<16x128xf32>
      %mul3A_173 = arith.mulf %squeeze3A_172, %dot_general3A_165 : vector<16x128xf32>
      %reduce_max3A_174 = arith.constant dense<0xFF800000> : vector<16xf32>
      %reduce_max3A_175 = vector.multi_reduction <maximumf>, %mul3A_173, %reduce_max3A_174 [1] : vector<16x128xf32> to vector<16xf32>
      %broadcast_in_dim3A_176 = vector.shape_cast %reduce_max3A_175 : vector<16xf32> to vector<16x1xf32>
      %bitcast_convert_type3A = tpu.bitcast %broadcast_in_dim3A_176 : vector<16x1xf32> -> vector<16x1xi32>
      %and3A_177 = arith.constant 2139095040 : i32
      %and3A_178 = vector.broadcast %and3A_177 : i32 to vector<16x1xi32>
      %and3A_179 = arith.andi %bitcast_convert_type3A, %and3A_178 : vector<16x1xi32>
      %sub3A_180 = arith.constant 2130706432 : i32
      %sub3A_181 = vector.broadcast %sub3A_180 : i32 to vector<16x1xi32>
      %sub3A_182 = arith.subi %sub3A_181, %and3A_179 : vector<16x1xi32>
      %bitcast_convert_type3A_183 = tpu.bitcast %sub3A_182 : vector<16x1xi32> -> vector<16x1xf32>
      %mul3A_184 = vector.broadcast %bitcast_convert_type3A_183 : vector<16x1xf32> to vector<16x128xf32>
      %mul3A_185 = arith.mulf %mul3A_173, %mul3A_184 : vector<16x128xf32>
      %shift_right_arithmetic3A = arith.constant 23 : i32
      %shift_right_arithmetic3A_186 = vector.broadcast %shift_right_arithmetic3A : i32 to vector<16x1xi32>
      %shift_right_arithmetic3A_187 = arith.shrsi %and3A_179, %shift_right_arithmetic3A_186 : vector<16x1xi32>
      %add3A_188 = arith.addi %while3A_60, %shift_right_arithmetic3A_187 : vector<16x1xi32>
      %sub3A_189 = arith.constant 127 : i32
      %sub3A_190 = vector.broadcast %sub3A_189 : i32 to vector<16x1xi32>
      %sub3A_191 = arith.subi %add3A_188, %sub3A_190 : vector<16x1xi32>
      scf.yield %mul3A_185, %sub3A_191, %select_n3A_169, %select_n3A_170 : vector<16x128xf32>, vector<16x1xi32>, vector<16x1xf32>, vector<16x1xi32>
    }
    %log3A = math.log %while3A_42#2 : vector<16x1xf32>
    %convert_element_type3A_43 = arith.sitofp %while3A_42#3 : vector<16x1xi32> to vector<16x1xf32>
    %mul3A = arith.constant 0.693147182 : f32
    %mul3A_44 = vector.broadcast %mul3A : f32 to vector<16x1xf32>
    %mul3A_45 = arith.mulf %convert_element_type3A_43, %mul3A_44 : vector<16x1xf32>
    %add3A_46 = arith.addf %log3A, %mul3A_45 : vector<16x1xf32>
    %convert_element_type3A_47 = arith.sitofp %get3A_8 : vector<16x1xi32> to vector<16x1xf32>
    %mul3A_48 = arith.constant 6.000000e+00 : f32
    %mul3A_49 = vector.broadcast %mul3A_48 : f32 to vector<16x1xf32>
    %mul3A_50 = arith.mulf %mul3A_49, %convert_element_type3A_47 : vector<16x1xf32>
    %add3A_51 = arith.addf %add3A_46, %mul3A_50 : vector<16x1xf32>
    %reduce_sum3A = vector.shape_cast %add3A_51 : vector<16x1xf32> to vector<1x16x1xf32>
    %reduce_sum3A_52 = arith.constant dense<0.000000e+00> : vector<1xf32>
    %reduce_sum3A_53 = vector.multi_reduction <add>, %reduce_sum3A, %reduce_sum3A_52 [1, 2] : vector<1x16x1xf32> to vector<1xf32>
    %reduce_sum3A_54 = vector.shape_cast %reduce_sum3A_53 : vector<1xf32> to vector<1x1x1xf32>
    %reduce_sum3A_55 = vector.extract %reduce_sum3A_54[0, 0, 0] : f32 from vector<1x1x1xf32>
    %reshape3A = vector.broadcast %reduce_sum3A_55 : f32 to vector<1x1xf32>
    %swap3A = arith.constant 0 : index
    %swap3A_56 = arith.constant 0 : index
    %swap3A_57 = vector.load %arg3[%swap3A, %swap3A_56] : memref<1x1xf32, #tpu.memory_space<vmem>>, vector<1x1xf32>
    tpu.vector_store %arg3[%swap3A, %swap3A_56], %reshape3A {strides = array<i32>} : memref<1x1xf32, #tpu.memory_space<vmem>>, vector<1x1xf32>,
    return
  }
}

</mosaic_0001>

<sc_bundles>
// kernel: kernel.4.cloned.1.call-start
scs
__scs_entry_jumppad:
0x0: {  	(pc) =	sbr.rel $0x88, $3  }
0x1: {  	(tag) =	ssettag $0x0;
	lr =	simm.s32 $0x1  }
0x2: {  	[smem:$0x3F9D] =	sst lr;
	_ =	strace $0xD0000000  }
0x3: {  	_ = 	snop  }
0x4: {  	_ = 	snop  }
0x5: {  	_ = 	snop  }
0x6: {  	_ = 	snop  }
0x7: {  	_ = 	snop  }
__scs_overlays_trampoline_lowered:
0x8: {  	[smem:$0x3FAC] =	sst s0  }
0x9: {  	[smem:$0x3FAD] =	sst s1  }
0xa: {  	[smem:$0x3FAE] =	sst s2  }
0xb: {  	[smem:$0x3FAF] =	sst s3  }
0xc: {  	[smem:$0x3FB0] =	sst s4  }
0xd: {  	[smem:$0x3FB1] =	sst s5  }
0xe: {  	[smem:$0x3FB2] =	sst s6  }
0xf: {  	[smem:$0x3FB3] =	sst s7  }
0x10: {  	[smem:$0x3FB4] =	sst s8  }
0x11: {  	[smem:$0x3FB5] =	sst s9;
	s0 =	simm.s32 @!p0 $0x0  }
0x12: {  	s1 =	sld [smem:$0x3F9B];
	s0 =	simm.s32 @p0 $0x1  }
0x13: {  	[smem:$0x3FB6] =	sst s0;
	s0 =	simm.s32 @!p1 $0x0  }
0x14: {  	s2 =	sld [smem:$0x3F9A];
	s0 =	simm.s32 @p1 $0x1  }
0x15: {  	[smem:$0x3FB7] =	sst s0;
	s0 =	simm.s32 @!p2 $0x0  }
0x16: {  	s3 =	sld [smem:$0x3FDB];
	s0 =	simm.s32 @p2 $0x1  }
0x17: {  	s4 =	simm.s32 $0x1BF5;
	[smem:$0x3FB9] =	sst s0  }
0x18: {  	s0 =	sld [smem:$0x3F9C];
	_ =	swait.ge [sflag:s4], $0x0  }
0x19: {  	s7 =	sld [smem:$0x3F9D]  }
0x1a: {  	s8 =	sadd.s32 $0xFFFFE003, lr  }
0x1b: {  	s9 =	sadd.s32 $0xFFFFFEF7, lr;
	s5 =	simm.s32 $0xFFFFFFFF;
	p2 =	slt.u32 s8, $0xFFFFF086  }
0x1c: {  	p1 =	slt.u32 s9, $0xF7A;
	s5 =	simm.s32 @!p2 $0x0  }
0x1d: {  	s5 =	simm.s32 @p1 $0x1;
	p0 =	seq.s32 s7, s2  }
0x1e: {  	s7 =	smul.u32 @!p0 $0xF7A, s2;
	p2 =	seq.s32 @!p0 s5, $0x0  }
0x1f: {  	s9 =	smul.u32 $0xF7A, s1;
	s8 =	simm.s32 @!p0 $0x1BF5;
	p2 =	por !p2, p0  }
0x20: {  	[sflag:s8] =	ssyncset.s32 @!p0 $0xFFFFF086;
	s6 =	sadd.s32 @!p0 s3, s7;
	s7 =	simm.s32 @!p0 $0x108  }
0x21: {  	s3 =	sadd.s32 s3, s9;
	s6 =	sadd.s32 @!p0 $0x88, s6;
	s7 =	simm.s32 @p2 $0x1082  }
0x22: {  	[simem:s7], [sflag:s8] =	dma.local @!p0 [hbm:s6], $0xF7A  }
0x23: {  	s9 =	sor.u32 $0xD0000000, s2;
	s6 =	simm.s32 $0x108;
	_ =	swait.ge @!p0 [sflag:s8], $0x0  }
0x24: {  	s3 =	sadd.s32 $0x88, s3;
	s6 =	simm.s32 @!p1 $0x1082;
	[sflag:s4] =	ssyncset.s32 $0xFFFFF086  }
0x25: {  	[simem:s6], [sflag:s4] =	dma.local [hbm:s3], $0xF7A  }
0x26: {  	[smem:$0x3F9D] =	sst s1;
	(tag) =	ssettag s2;
	_ =	strace s9  }
0x27: {  	s1 =	sld [smem:$0x3FAD]  }
0x28: {  	s2 =	sld [smem:$0x3FAE]  }
0x29: {  	s4 =	sld [smem:$0x3FB0]  }
0x2a: {  	p0 =	seq.s32 s5, $0x0;
	s5 =	sld [smem:$0x3FB1]  }
0x2b: {  	s6 =	sld [smem:$0x3FB2]  }
0x2c: {  	s7 =	sld [smem:$0x3FB3]  }
0x2d: {  	s3 =	simm.s32 $0x108;
	s8 =	sld [smem:$0x3FB4]  }
0x2e: {  	s3 =	simm.s32 @!p0 $0x1082;
	s9 =	sld [smem:$0x3FB5]  }
0x2f: {  	lr =	sadd.s32 s0, s3;
	s0 =	sld [smem:$0x3FAC]  }
0x30: {  	s3 =	sld [smem:$0x3FAF]  }
0x31: {  	[smem:$0x3FB8] =	sst s10  }
0x32: {  	s10 =	sld [smem:$0x3FB6];
	_ =	sdelay $0x3  }
0x33: {  	p0 =	seq.s32 s10, $0x1;
	s10 =	sld [smem:$0x3FB8];
	_ =	sdelay $0x3  }
0x34: {  	[smem:$0x3FB8] =	sst s10  }
0x35: {  	s10 =	sld [smem:$0x3FB7];
	_ =	sdelay $0x3  }
0x36: {  	p1 =	seq.s32 s10, $0x1;
	s10 =	sld [smem:$0x3FB8];
	_ =	sdelay $0x3  }
0x37: {  	[smem:$0x3FB8] =	sst s10  }
0x38: {  	s10 =	sld [smem:$0x3FB9]  }
0x39: {  	_ = 	snop;
	(pc) =	sbr.ind lr, $3  }
0x3a: {  	_ = 	snop  }
0x3b: {  	_ = 	snop  }
0x3c: {  	p2 =	seq.s32 s10, $0x1;
	s10 =	sld [smem:$0x3FB8]  }
0x3d: {  	_ =	shalt  }
0x3e: {  	_ =	shalt  }
0x3f: {  	_ =	shalt  }
0x40: {  	_ =	shalt  }
0x41: {  	_ =	shalt  }
0x42: {  	_ =	shalt  }
0x43: {  	_ =	shalt  }
0x44: {  	_ =	shalt  }
0x45: {  	_ =	shalt  }
0x46: {  	_ =	shalt  }
0x47: {  	_ =	shalt  }
0x48: {  	_ =	shalt  }
0x49: {  	_ =	shalt  }
0x4a: {  	_ =	shalt  }
0x4b: {  	_ =	shalt  }
0x4c: {  	_ =	shalt  }
0x4d: {  	_ =	shalt  }
0x4e: {  	_ =	shalt  }
0x4f: {  	_ =	shalt  }
0x50: {  	_ =	shalt  }
0x51: {  	_ =	shalt  }
0x52: {  	_ =	shalt  }
0x53: {  	_ =	shalt  }
0x54: {  	_ =	shalt  }
0x55: {  	_ =	shalt  }
0x56: {  	_ =	shalt  }
0x57: {  	_ =	shalt  }
0x58: {  	_ =	shalt  }
0x59: {  	_ =	shalt  }
0x5a: {  	_ =	shalt  }
0x5b: {  	_ =	shalt  }
0x5c: {  	_ =	shalt  }
0x5d: {  	_ =	shalt  }
0x5e: {  	_ =	shalt  }
0x5f: {  	_ =	shalt  }
0x60: {  	_ =	shalt  }
0x61: {  	_ =	shalt  }
0x62: {  	_ =	shalt  }
0x63: {  	_ =	shalt  }
0x64: {  	_ =	shalt  }
0x65: {  	_ =	shalt  }
0x66: {  	_ =	shalt  }
0x67: {  	_ =	shalt  }
0x68: {  	_ =	shalt  }
0x69: {  	_ =	shalt  }
0x6a: {  	_ =	shalt  }
0x6b: {  	_ =	shalt  }
0x6c: {  	_ =	shalt  }
0x6d: {  	_ =	shalt  }
0x6e: {  	_ =	shalt  }
0x6f: {  	_ =	shalt  }
0x70: {  	_ =	shalt  }
0x71: {  	_ =	shalt  }
0x72: {  	_ =	shalt  }
0x73: {  	_ =	shalt  }
0x74: {  	_ =	shalt  }
0x75: {  	_ =	shalt  }
0x76: {  	_ =	shalt  }
0x77: {  	_ =	shalt  }
0x78: {  	_ =	shalt  }
0x79: {  	_ =	shalt  }
0x7a: {  	_ =	shalt  }
0x7b: {  	_ =	shalt  }
0x7c: {  	_ =	shalt  }
0x7d: {  	_ =	shalt  }
0x7e: {  	_ =	shalt  }
0x7f: {  	_ =	shalt  }
0x80: {  	_ =	shalt  }
0x81: {  	_ =	shalt  }
0x82: {  	_ =	shalt  }
0x83: {  	_ =	shalt  }
0x84: {  	_ =	shalt  }
0x85: {  	_ =	shalt  }
0x86: {  	_ =	shalt  }
0x87: {  	_ =	shalt  }
.Lfunc_end0:
.L_simem_size_0:
called_computation_lowered:
.L_overlay_start_0:
0x88: {  	s2 =	sld [smem:$0x3FD9]  }
0x89: {  	s3 =	sld [smem:$0x3FFE];
	_ =	sdelay $0x1  }
0x8a: {  	s1 =	srdreg.scid  }
0x8b: {  	s0 =	sand.u32 $0x1, s1  }
0x8c: {  	s17 =	sshll.u32 s0, $0xA;
	s2 =	sadd.s32 s3, s2  }
0x8d: {  	s2 =	sadd.s32 s2, s17  }
0x8e: {  	[smem:$0x3FC4] =	sst s2  }
0x8f: {  	_ = 	snop  }
0x90: {  	s2 =	sld [smem:$0x3FC9]  }
0x91: {  	s18 =	sld [smem:$0x3FC8]  }
0x92: {  	s4 =	sld [smem:$0x3FC7]  }
0x93: {  	s5 =	sld [smem:$0x3FC6];
	(tm) =	ssettm $0x1  }
0x94: {  	s6 =	sld [smem:$0x3FFB];
	_ =	sdelay $0x3  }
0x95: {  	_ =	strace s6  }
0x96: {  	s6 =	sld [smem:$0x3FFC];
	_ =	sdelay $0x3  }
0x97: {  	_ =	strace s6  }
0x98: {  	s6 =	sld [smem:$0x3FFD];
	_ =	sdelay $0x3  }
0x99: {  	_ =	strace s6  }
0x9a: {  	_ =	strace $0x8FFFFFFF  }
0x9b: {  	s19 =	sld [smem:$0x3FDB];
	_ =	sdelay $0x1  }
0x9c: {  	s7 =	simm.s32 $_scs_section_size  }
0x9d: {  	s8 =	simm.s32 $_size__tile_overlayer_lowered;
	s9 =	simm.s32 $_tile_overlayer_lowered  }
0x9e: {  	s22 =	simm.s32 $0x1BFF;
	s21 =	sshll.u32 s9, $0x1;
	s6 =	sadd.s32 s7, s19  }
0x9f: {  	s10 =	simm.s32 $0x0;
	s20 =	sshll.u32 s8, $0x1;
	s8 =	sadd.s32 s21, s6  }
0xa0: {  	[timem:s10], [sflag:s22] =	dma.local [hbm:s8], s20  }
0xa1: {  	_ =	swait.ge [sflag:s22], s20  }
0xa2: {  	s7 =	ssub.s32 $0x0, s20;
	[sflag:s22] =	ssyncset.done $0x0  }
0xa3: {  	[sflag:s22] =	ssyncadd.s32 s7;
	_ =	sdelay $0x1  }
0xa4: {  	s23 =	simm.s32 $0x1B8B  }
0xa5: {  	_ =	swait.ge [sflag:s23], $0x1  }
0xa6: {  	[sflag:s23] =	ssyncset.done $0x0  }
0xa7: {  	s25 =	simm.s32 $0x1B8E;
	s24 =	sld [smem:$0x3FFE];
	[sflag:s23] =	ssyncadd.s32 $0xFFFFFFFF  }
0xa8: {  	s26 =	simm.s32 $execute0_lowered;
	[smem:$0x3FD2] =	sst s25  }
0xa9: {  	s8 =	sshll.u32 s26, $0x1;
	_ =	strace $0x80000046;
	[dreg:$0x1] =	wrdreg $0xFFFFFFFF  }
0xaa: {  	s28 =	simm.s32 $_size_execute0_lowered;
	s6 =	sadd.s32 s6, s8;
	[dreg:$0x0] =	wrdreg $0x0  }
0xab: {  	s8 =	sshll.u32 s28, $0x1;
	[dreg:$0x2] =	wrdreg s6  }
0xac: {  	[dreg:$0x3] =	wrdreg s8  }
0xad: {  	[dreg:$0x4] =	wrdreg $0xC0  }
0xae: {  	_ =	task [dreg:s10], $0x5FFFF  }
0xaf: {  	[dreg:$0x1] =	wrdreg $0xFFFFFFFF  }
0xb0: {  	[dreg:$0x0] =	wrdreg $0x60  }
0xb1: {  	[dreg:$0x2] =	wrdreg s2  }
0xb2: {  	[dreg:$0x3] =	wrdreg s18  }
0xb3: {  	[dreg:$0x4] =	wrdreg s4  }
0xb4: {  	[dreg:$0x5] =	wrdreg s5  }
0xb5: {  	[dreg:$0x6] =	wrdreg s24  }
0xb6: {  	[dreg:$0x7] =	wrdreg $0x9  }
0xb7: {  	_ =	task.clear_ibuf [dreg:s10], $0x8FFFF;
	_ =	strace $0x90000046  }
0xb8: {  	s29 =	simm.s32 $0x9;
	_ =	strace $0x80000048  }
0xb9: {  	_ =	swait.ge [sflag:s29], $0x1  }
0xba: {  	[sflag:s29] =	ssyncadd.s32 $0xFFFFFFFF  }
0xbb: {  	_ =	strace $0x90000048  }
0xbc: {  	_ =	sfence  }
0xbd: {  	s30 =	sld [smem:$0x0];
	_ =	sdelay $0x2  }
0xbe: {  	s31 =	sshll.u32 s1, $0xD;
	s1 =	sshrl.u32 s1, $0x2  }
0xbf: {  	s3 =	sand.u32 $0x4000, s31;
	s1 =	sadd.s32 s1, s30  }
0xc0: {  	s0 =	sor.u32 s3, s0;
	s1 =	sshll.u32 s1, $0x11  }
0xc1: {  	s0 =	sor.u32 s1, s0  }
0xc2: {  	s0 =	sadd.s32 $0x8F2B, s0  }
0xc3: {  	[sflag:s0] =	ssyncadd.remote.s32 $0x1  }
0xc4: {  	_ =	sfence.sel $0xFFFF  }
0xc5: {  	[dreg:$0x0] =	wrdreg $0xFFFFFFFF;
	(pc) =	sbr.abs _section_cstart, $3  }
0xc6: {  	[dreg:$0x1] =	wrdreg $0xFFFFFFFF  }
0xc7: {  	_ =	task.clear_ibuf [dreg:s10], $0x2FFFF;
	_ =	strace $0x9FFFFFFF  }
0xc8: {  	(tm) =	ssettm $0x7FFFFFFF  }
0xc9: {  	_ =	shalt  }
tec
execute0_lowered:
.L_overlay_start_1:
0x0: {  	(tag) =	ssettag $0x1  }
0x1: {  	s1 =	srdreg.scid;
	v32 =	vlaneseq.u32;
	s2 =	rddreg [dreg:$0x1]  }
0x2: {  	s0 =	stileid.u32;
	s10 =	rddreg [dreg:$0x3];
	v26 =	vimm.s32 $0xEDCBA987;
	v15 =	vmul.u32 $0x80, v32  }
0x3: {  	s11 =	rddreg [dreg:$0x4];
	s5 =	simm.s32 $0x0;
	v28 =	vimm.s32 $0x65432100;
	v63 =	vimm.s32 $0x0;
	s20 =	simm.s32 $0x580;
	vm1 =	vmmov $0x1  }
0x4: {  	s7 =	sand.u32 $0x1, s1;
	s21 =	sshll.u32 s0, $0x1;
	s1 =	simm.s32 $0x1;
	v30 =	vunpack.c.l.s4.s8 v26;
	v34 =	vunpack.c.l.s4.s8 v28;
	v2 =	vor.u32 $0x800, v15  }
0x5: {  	[smem:$0x7FF] =	sst s5;
	s6 =	sor.u32 s7, s21;
	p1 =	seq.s32 s7, $0x1;
	v3 =	vor.u32 $0x1000, v15;
	v4 =	vor.u32 $0x1800, v15;
	v5 =	vor.u32 $0x2000, v15  }
0x6: {  	s4 =	sshll.u32 s7, $0xF;
	s12 =	ssub.s32 $0x2, s7;
	s7 =	sshll.u32 s7, $0x8;
	v6 =	vor.u32 $0x2800, v15;
	v7 =	vor.u32 $0x3000, v15;
	v8 =	vor.u32 $0x3800, v15  }
0x7: {  	s21 =	simm.s32 $0x600;
	p0 =	seq.s32 s6, $0x0;
	s6 =	sshll.u32 s6, $0x4;
	v9 =	vor.u32 $0x4000, v15;
	v10 =	vor.u32 $0x4800, v15;
	v11 =	vor.u32 $0x5000, v15  }
0x8: {  	s14 =	sshrl.u32 s12, $0x1;
	v12 =	vor.u32 $0x5800, v15;
	v13 =	vor.u32 $0x6000, v15;
	v14 =	vor.u32 $0x6800, v15;
	s22 =	sor.u32 $0x10, s7;
	s23 =	sor.u32 $0x20, s7  }
0x9: {  	v16 =	vor.u32 $0x7000, v15;
	v17 =	vor.u32 $0x7800, v15;
	v33 =	vmov s7;
	s24 =	sor.u32 $0x30, s7;
	s15 =	sor.u32 $0x40, s7;
	s16 =	sor.u32 $0x50, s7  }
0xa: {  	s25 =	sor.u32 $0x60, s7;
	s26 =	sor.u32 $0x70, s7;
	v35 =	vunpack.c.0.s8.s32 v30;
	v34 =	vunpack.c.0.s8.s32 v34;
	p0 =	por !p0, !p1;
	v18 =	vor.u32 s22, v32  }
0xb: {  	s28 =	sor.u32 $0x90, s7;
	s29 =	sor.u32 $0xA0, s7;
	v19 =	vor.u32 s23, v32;
	v20 =	vor.u32 s24, v32;
	v21 =	vor.u32 s15, v32;
	p0 =	por !p0, !p0  }
0xc: {  	s30 =	sor.u32 $0xB0, s7;
	s31 =	sor.u32 $0xC0, s7;
	v22 =	vor.u32 s16, v32;
	v23 =	vor.u32 s25, v32;
	v24 =	vor.u32 s26, v32;
	s1 =	simm.s32 @!p0 $0x0  }
0xd: {  	s17 =	sor.u32 $0xD0, s7;
	s18 =	sor.u32 $0xE0, s7;
	v26 =	vor.u32 s28, v32;
	v27 =	vor.u32 s29, v32;
	v28 =	vor.u32 s30, v32;
	s8 =	ssub.s32 s0, s1  }
0xe: {  	s19 =	sor.u32 $0xF0, s7;
	s11 =	sadd.s32 s6, s11;
	v29 =	vor.u32 s31, v32;
	v30 =	vor.u32 s17, v32;
	vm0 =	veq.s32 v33, v32;
	s3 =	sshll.u32 s8, $0x10  }
0xf: {  	s12 =	ssub.s32 s12, s14;
	s6 =	simm.s32 $0x1;
	v31 =	vor.u32 s18, v32;
	v33 =	vsel vm0, $0xFFFFFFFF, v63;
	v0 =	vmov s8;
	s9 =	sor.u32 s4, s3  }
0x10: {  	s14 =	simm.s32 $0x200;
	s15 =	simm.s32 $0x280;
	s16 =	simm.s32 $0x480;
	v35 =	vand.u32 $0xF, v35;
	v0 =	vand.u32 $0xF, v0;
	v1 =	vor.u32 s9, v15  }
0x11: {  	s17 =	simm.s32 $0x300;
	s18 =	simm.s32 $0x500;
	s22 =	simm.s32 $0x680;
	v2 =	vor.u32 s9, v2;
	v3 =	vor.u32 s9, v3;
	v4 =	vor.u32 s9, v4  }
0x12: {  	s1 =	rddreg [dreg:$0x0];
	s13 =	sshll.u32 s8, $0x9;
	s8 =	sshll.u32 s8, $0x7;
	v5 =	vor.u32 s9, v5;
	v6 =	vor.u32 s9, v6;
	v7 =	vor.u32 s9, v7  }
0x13: {  	s3 =	rddreg [dreg:$0x2];
	s13 =	sand.u32 $0xFFFFF000, s13;
	s8 =	sand.u32 $0x380, s8;
	v8 =	vor.u32 s9, v8;
	v9 =	vor.u32 s9, v9;
	v10 =	vor.u32 s9, v10  }
0x14: {  	s23 =	simm.s32 $0x2;
	s4 =	rddreg [dreg:$0x5];
	v11 =	vor.u32 s9, v11;
	s8 =	sor.u32 s8, s13;
	v12 =	vor.u32 s9, v12;
	v13 =	vor.u32 s9, v13  }
0x15: {  	_ =	strace $0x80000047;
	v14 =	vor.u32 s9, v14;
	v15 =	vor.u32 s9, v16;
	v16 =	vor.u32 s9, v17;
	s9 =	sor.u32 $0x80, s7;
	s8 =	sshrl.u32 s8, $0x3  }
0x16: {  	v17 =	vor.u32 s7, v32;
	s13 =	simm.s32 $0x400;
	v25 =	vor.u32 s9, v32;
	v32 =	vor.u32 s19, v32;
	s19 =	simm.s32 $0x380;
	s8 =	sadd.s32 s10, s8  }
0x17: {  	v34 =	vcombine.low v34, v35;
	[tilespmem:$0x1FFF0] =	vst v33;
	v33 =	vimm.s32 $0xF;
	v0 =	vbroadcast v0, $0x0;
	s10 =	sadd.s32 $0x600, s11;
	s11 =	smax.u32 s12, $0x1;
	s12 =	simm.s32 $0x80  }
.LBB2_1:
0x18: {  	[tilespmem:s5], [sflag:$0x1] =	stream.strided.gather [hbm4b:s8+s12], $0x200, s13, s12, $0x38;
	[tilespmem:$0x700] =	vst v63  }
0x19: {  	_ = 	snop  }
0x1a: {  	[tilespmem:s14], [sflag:$0x1] =	stream.linear.gather [hbm4b:s3+s5], $0x10, $0x38;
	[tilespmem:$0x700] =	vst v63  }
0x1b: {  	_ =	swait.ge [sflag:s6], $0x200  }
0x1c: {  	[sflag:s6] =	ssyncset.done $0x0  }
0x1d: {  	[sflag:s6] =	ssyncadd.s32 $0xFFFFFE00  }
0x1e: {  	_ =	swait.ge [sflag:s6], $0x10  }
0x1f: {  	[sflag:s6] =	ssyncset.done $0x0  }
0x20: {  	[sflag:s6] =	ssyncadd.s32 $0xFFFFFFF0  }
0x21: {  	v35 =	vld [tilespmem:s7+$0x0];
	_ =	sdelay $0x4  }
0x22: {  	v35 =	vadd.s32 v35, v1  }
0x23: {  	[tilespmem:$0x280] =	vst v35  }
0x24: {  	v35 =	vld [tilespmem:s7+$0x10];
	_ =	sdelay $0x4  }
0x25: {  	v35 =	vadd.s32 v35, v2  }
0x26: {  	[tilespmem:$0x290] =	vst v35  }
0x27: {  	v35 =	vld [tilespmem:s7+$0x20];
	_ =	sdelay $0x4  }
0x28: {  	v35 =	vadd.s32 v35, v3  }
0x29: {  	[tilespmem:$0x2A0] =	vst v35  }
0x2a: {  	v35 =	vld [tilespmem:s7+$0x30];
	_ =	sdelay $0x4  }
0x2b: {  	v35 =	vadd.s32 v35, v4  }
0x2c: {  	[tilespmem:$0x2B0] =	vst v35  }
0x2d: {  	v35 =	vld [tilespmem:s7+$0x40];
	_ =	sdelay $0x4  }
0x2e: {  	v35 =	vadd.s32 v35, v5  }
0x2f: {  	[tilespmem:$0x2C0] =	vst v35  }
0x30: {  	v35 =	vld [tilespmem:s7+$0x50];
	_ =	sdelay $0x4  }
0x31: {  	v35 =	vadd.s32 v35, v6  }
0x32: {  	[tilespmem:$0x2D0] =	vst v35  }
0x33: {  	v35 =	vld [tilespmem:s7+$0x60];
	_ =	sdelay $0x4  }
0x34: {  	v35 =	vadd.s32 v35, v7  }
0x35: {  	[tilespmem:$0x2E0] =	vst v35  }
0x36: {  	v35 =	vld [tilespmem:s7+$0x70];
	_ =	sdelay $0x4  }
0x37: {  	v35 =	vadd.s32 v35, v8  }
0x38: {  	[tilespmem:$0x2F0] =	vst v35  }
0x39: {  	v35 =	vld [tilespmem:s9+$0x0];
	_ =	sdelay $0x4  }
0x3a: {  	v35 =	vadd.s32 v35, v9  }
0x3b: {  	[tilespmem:$0x300] =	vst v35  }
0x3c: {  	v35 =	vld [tilespmem:s7+$0x90];
	_ =	sdelay $0x4  }
0x3d: {  	v35 =	vadd.s32 v35, v10  }
0x3e: {  	[tilespmem:$0x310] =	vst v35  }
0x3f: {  	v35 =	vld [tilespmem:s7+$0xA0];
	_ =	sdelay $0x4  }
0x40: {  	v35 =	vadd.s32 v35, v11  }
0x41: {  	[tilespmem:$0x320] =	vst v35  }
0x42: {  	v35 =	vld [tilespmem:s7+$0xB0];
	_ =	sdelay $0x4  }
0x43: {  	v35 =	vadd.s32 v35, v12  }
0x44: {  	[tilespmem:$0x330] =	vst v35  }
0x45: {  	v35 =	vld [tilespmem:s7+$0xC0];
	_ =	sdelay $0x4  }
0x46: {  	v35 =	vadd.s32 v35, v13  }
0x47: {  	[tilespmem:$0x340] =	vst v35  }
0x48: {  	v35 =	vld [tilespmem:s7+$0xD0];
	_ =	sdelay $0x4  }
0x49: {  	v35 =	vadd.s32 v35, v14  }
0x4a: {  	[tilespmem:$0x350] =	vst v35  }
0x4b: {  	v35 =	vld [tilespmem:s7+$0xE0];
	_ =	sdelay $0x4  }
0x4c: {  	v35 =	vadd.s32 v35, v15  }
0x4d: {  	[tilespmem:$0x360] =	vst v35  }
0x4e: {  	v35 =	vld [tilespmem:s7+$0xF0];
	_ =	sdelay $0x4  }
0x4f: {  	v35 =	vadd.s32 v35, v16  }
0x50: {  	v36 =	vld [tilespmem:$0x200];
	[tilespmem:$0x370] =	vst v35  }
0x51: {  	v37 =	vld [tilespmem:$0xF0];
	[tilespmem:s16], [sflag:$0x1] =	stream.indirect.gather [hbm4b:s1+s12], $0x1, s15, s12, $0xb8  }
0x52: {  	_ = 	snop  }
0x53: {  	[tilespmem:s18], [sflag:$0x1] =	stream.indirect.gather [hbm4b:s1+s12], $0x1, s17, s12, $0xb8;
	[tilespmem:$0x700] =	vst v63  }
0x54: {  	v38 =	vld [tilespmem:s7+$0x0]  }
0x55: {  	v39 =	vld [tilespmem:$0x1FFF0];
	_ =	sdelay $0x2  }
0x56: {  	v35 =	vperm.xlane v36, v0  }
0x57: {  	v46 =	vperm.xlane v37, v33;
	v47 =	vperm.xlane v38, v34  }
0x58: {  	v48 =	vimm.s32 $0x0;
	vm0 =	vnez.u8 v39;
	vm2 =	vlt.s32 v17, v35  }
0x59: {  	v37 =	vsel vm2, $0xFFFFFFFF, v48;
	v49 =	vshll.u32 v38, $0x7;
	v36 =	vsel vm1, v46, v47  }
0x5a: {  	[tilespmem:$0x1FFC0] =	vst v37;
	v37 =	vnsel vm2, $0x3F80, v49;
	v36 =	vsel vm0, $0x7E, v36  }
0x5b: {  	v36 =	vadd.s32 v37, v36  }
0x5c: {  	[tilespmem:$0x380] =	vst v36  }
0x5d: {  	v36 =	vld [tilespmem:s7+$0x10];
	_ =	sdelay $0x4  }
0x5e: {  	v50 =	vperm.xlane v38, v33;
	v51 =	vperm.xlane v36, v34  }
0x5f: {  	vm0 =	vlt.s32 v18, v35;
	v53 =	vshll.u32 v36, $0x7  }
0x60: {  	v54 =	vnsel vm0, $0x3F80, v53;
	v37 =	vsel vm1, v50, v51  }
0x61: {  	v37 =	vadd.s32 v37, v54  }
0x62: {  	[tilespmem:$0x390] =	vst v37  }
0x63: {  	v37 =	vld [tilespmem:s7+$0x20];
	_ =	sdelay $0x4  }
0x64: {  	v52 =	vimm.s32 $0x0;
	v36 =	vperm.xlane v36, v33;
	v55 =	vperm.xlane v37, v34  }
0x65: {  	v39 =	vsel vm0, $0xFFFFFFFF, v52;
	vm0 =	vlt.s32 v19, v35;
	v57 =	vshll.u32 v37, $0x7  }
0x66: {  	v58 =	vnsel vm0, $0x3F80, v57;
	v36 =	vsel vm1, v36, v55  }
0x67: {  	v36 =	vadd.s32 v36, v58  }
0x68: {  	[tilespmem:$0x3A0] =	vst v36  }
0x69: {  	v36 =	vld [tilespmem:s7+$0x30];
	_ =	sdelay $0x4  }
0x6a: {  	v37 =	vperm.xlane v37, v33;
	v59 =	vperm.xlane v36, v34  }
0x6b: {  	vm5 =	vlt.s32 v20, v35;
	v60 =	vshll.u32 v36, $0x7  }
0x6c: {  	v61 =	vnsel vm5, $0x3F80, v60;
	v37 =	vsel vm1, v37, v59  }
0x6d: {  	v37 =	vadd.s32 v37, v61  }
0x6e: {  	[tilespmem:$0x3B0] =	vst v37  }
0x6f: {  	v37 =	vld [tilespmem:s7+$0x40];
	_ =	sdelay $0x4  }
0x70: {  	v36 =	vperm.xlane v36, v33;
	v62 =	vperm.xlane v37, v34  }
0x71: {  	vm6 =	vlt.s32 v21, v35;
	v63 =	vshll.u32 v37, $0x7  }
0x72: {  	v41 =	vnsel vm6, $0x3F80, v63;
	v36 =	vsel vm1, v36, v62  }
0x73: {  	v36 =	vadd.s32 v36, v41  }
0x74: {  	[tilespmem:$0x3C0] =	vst v36  }
0x75: {  	v36 =	vld [tilespmem:s7+$0x50];
	_ =	sdelay $0x4  }
0x76: {  	v37 =	vperm.xlane v37, v33;
	v42 =	vperm.xlane v36, v34  }
0x77: {  	vm7 =	vlt.s32 v22, v35;
	v43 =	vshll.u32 v36, $0x7  }
0x78: {  	v44 =	vnsel vm7, $0x3F80, v43;
	v37 =	vsel vm1, v37, v42  }
0x79: {  	v37 =	vadd.s32 v37, v44  }
0x7a: {  	[tilespmem:$0x3D0] =	vst v37  }
0x7b: {  	v37 =	vld [tilespmem:s7+$0x60];
	_ =	sdelay $0x4  }
0x7c: {  	v36 =	vperm.xlane v36, v33;
	v45 =	vperm.xlane v37, v34  }
0x7d: {  	vm8 =	vlt.s32 v23, v35;
	v46 =	vshll.u32 v37, $0x7  }
0x7e: {  	v47 =	vnsel vm8, $0x3F80, v46;
	v36 =	vsel vm1, v36, v45  }
0x7f: {  	v36 =	vadd.s32 v36, v47  }
0x80: {  	[tilespmem:$0x3E0] =	vst v36  }
0x81: {  	v36 =	vld [tilespmem:s7+$0x70];
	_ =	sdelay $0x4  }
0x82: {  	v37 =	vperm.xlane v37, v33;
	v48 =	vperm.xlane v36, v34  }
0x83: {  	vm9 =	vlt.s32 v24, v35;
	v49 =	vshll.u32 v36, $0x7  }
0x84: {  	v50 =	vnsel vm9, $0x3F80, v49;
	v37 =	vsel vm1, v37, v48  }
0x85: {  	v37 =	vadd.s32 v37, v50  }
0x86: {  	[tilespmem:$0x3F0] =	vst v37  }
0x87: {  	v37 =	vld [tilespmem:s9+$0x0];
	_ =	sdelay $0x4  }
0x88: {  	v36 =	vperm.xlane v36, v33;
	v51 =	vperm.xlane v37, v34  }
0x89: {  	vm10 =	vlt.s32 v25, v35;
	v52 =	vshll.u32 v37, $0x7  }
0x8a: {  	v53 =	vnsel vm10, $0x3F80, v52;
	v36 =	vsel vm1, v36, v51  }
0x8b: {  	v36 =	vadd.s32 v36, v53  }
0x8c: {  	[tilespmem:$0x400] =	vst v36  }
0x8d: {  	v36 =	vld [tilespmem:s7+$0x90];
	_ =	sdelay $0x4  }
0x8e: {  	v37 =	vperm.xlane v37, v33;
	v54 =	vperm.xlane v36, v34  }
0x8f: {  	v56 =	vimm.s32 $0x0;
	vm11 =	vlt.s32 v26, v35;
	v55 =	vshll.u32 v36, $0x7  }
0x90: {  	[tilespmem:$0x1FFD0] =	vst v39;
	v39 =	vsel vm0, $0xFFFFFFFF, v56;
	v56 =	vnsel vm11, $0x3F80, v55;
	v37 =	vsel vm1, v37, v54  }
0x91: {  	v37 =	vadd.s32 v37, v56  }
0x92: {  	[tilespmem:$0x410] =	vst v37  }
0x93: {  	v37 =	vld [tilespmem:s7+$0xA0];
	_ =	sdelay $0x4  }
0x94: {  	v36 =	vperm.xlane v36, v33;
	v57 =	vperm.xlane v37, v34  }
0x95: {  	vm12 =	vlt.s32 v27, v35;
	v58 =	vshll.u32 v37, $0x7  }
0x96: {  	v59 =	vnsel vm12, $0x3F80, v58;
	v36 =	vsel vm1, v36, v57  }
0x97: {  	v36 =	vadd.s32 v36, v59  }
0x98: {  	[tilespmem:$0x420] =	vst v36  }
0x99: {  	v36 =	vld [tilespmem:s7+$0xB0];
	_ =	sdelay $0x4  }
0x9a: {  	v37 =	vperm.xlane v37, v33;
	v60 =	vperm.xlane v36, v34  }
0x9b: {  	vm13 =	vlt.s32 v28, v35;
	v61 =	vshll.u32 v36, $0x7  }
0x9c: {  	v62 =	vnsel vm13, $0x3F80, v61;
	v37 =	vsel vm1, v37, v60  }
0x9d: {  	v37 =	vadd.s32 v37, v62  }
0x9e: {  	[tilespmem:$0x430] =	vst v37  }
0x9f: {  	v37 =	vld [tilespmem:s7+$0xC0];
	_ =	sdelay $0x4  }
0xa0: {  	v36 =	vperm.xlane v36, v33;
	v63 =	vperm.xlane v37, v34  }
0xa1: {  	vm14 =	vlt.s32 v29, v35;
	v42 =	vshll.u32 v37, $0x7  }
0xa2: {  	v43 =	vnsel vm14, $0x3F80, v42;
	v36 =	vsel vm1, v36, v63  }
0xa3: {  	v36 =	vadd.s32 v36, v43  }
0xa4: {  	[tilespmem:$0x440] =	vst v36  }
0xa5: {  	v36 =	vld [tilespmem:s7+$0xD0];
	_ =	sdelay $0x4  }
0xa6: {  	v37 =	vperm.xlane v37, v33;
	v44 =	vperm.xlane v36, v34  }
0xa7: {  	vm15 =	vlt.s32 v30, v35;
	v45 =	vshll.u32 v36, $0x7  }
0xa8: {  	v46 =	vnsel vm15, $0x3F80, v45;
	v37 =	vsel vm1, v37, v44  }
0xa9: {  	v37 =	vadd.s32 v37, v46  }
0xaa: {  	[tilespmem:$0x450] =	vst v37  }
0xab: {  	v37 =	vld [tilespmem:s7+$0xE0];
	_ =	sdelay $0x4  }
0xac: {  	v36 =	vperm.xlane v36, v33;
	v47 =	vperm.xlane v37, v34  }
0xad: {  	vm3 =	vlt.s32 v31, v35;
	v48 =	vshll.u32 v37, $0x7  }
0xae: {  	v49 =	vnsel vm3, $0x3F80, v48;
	v36 =	vsel vm1, v36, v47  }
0xaf: {  	v36 =	vadd.s32 v36, v49  }
0xb0: {  	[tilespmem:$0x460] =	vst v36  }
0xb1: {  	v36 =	vld [tilespmem:s7+$0xF0];
	_ =	sdelay $0x4  }
0xb2: {  	v37 =	vperm.xlane v37, v33;
	v50 =	vperm.xlane v36, v34  }
0xb3: {  	vm2 =	vlt.s32 v32, v35;
	v36 =	vshll.u32 v36, $0x7  }
0xb4: {  	v36 =	vnsel vm2, $0x3F80, v36;
	v37 =	vsel vm1, v37, v50  }
0xb5: {  	v36 =	vadd.s32 v37, v36  }
0xb6: {  	[tilespmem:$0x470] =	vst v36  }
0xb7: {  	[tilespmem:s20], [sflag:$0x1] =	stream.indirect.gather [hbm4b:s2+s12], $0x1, s19, s12, $0xb8;
	[tilespmem:$0x700] =	vst v63  }
0xb8: {  	[tilespmem:$0x1FFE0] =	vst v39  }
0xb9: {  	[tilespmem:s21], [sflag:$0x1] =	stream.indirect.gather [hbm4b:s2+s12], $0x1, s13, s12, $0xb8;
	[tilespmem:$0x700] =	vst v63  }
0xba: {  	_ =	swait.ge [sflag:s6], $0x80  }
0xbb: {  	[sflag:s6] =	ssyncset.done $0x0  }
0xbc: {  	[sflag:s6] =	ssyncadd.s32 $0xFFFFFF80  }
0xbd: {  	_ =	swait.ge [sflag:s6], $0x80  }
0xbe: {  	[sflag:s6] =	ssyncset.done $0x0  }
0xbf: {  	[sflag:s6] =	ssyncadd.s32 $0xFFFFFF80  }
0xc0: {  	_ =	swait.ge [sflag:s6], $0x80  }
0xc1: {  	[sflag:s6] =	ssyncset.done $0x0  }
0xc2: {  	[sflag:s6] =	ssyncadd.s32 $0xFFFFFF80  }
0xc3: {  	_ =	swait.ge [sflag:s6], $0x80  }
0xc4: {  	[sflag:s6] =	ssyncset.done $0x0  }
0xc5: {  	[sflag:s6] =	ssyncadd.s32 $0xFFFFFF80  }
0xc6: {  	v51 =	vld [tilespmem:$0x480]  }
0xc7: {  	v40 =	vld [tilespmem:$0x1FFC0]  }
0xc8: {  	v52 =	vld [tilespmem:$0x580]  }
0xc9: {  	v56 =	vld [tilespmem:$0x1FFD0]  }
0xca: {  	v53 =	vld [tilespmem:$0x490]  }
0xcb: {  	v36 =	vadd.f32 $0.0e+00, v51  }
0xcc: {  	vm0 =	vgt.s32 v17, v35;
	v54 =	vld [tilespmem:$0x590];
	vm4 =	vnez.u8 v40  }
0xcd: {  	v59 =	vld [tilespmem:$0x1FFE0];
	v37 =	vsel vm0, $0x0, v52;
	v36 =	vnsel vm4, $0x0, v36  }
0xce: {  	v55 =	vld [tilespmem:$0x4A0];
	vm0 =	vnez.u8 v56;
	v36 =	vadd.f32 v37, v36  }
0xcf: {  	v38 =	vnsel vm0, $0x0, v53  }
0xd0: {  	v57 =	vld [tilespmem:$0x5A0];
	vm0 =	vgt.s32 v18, v35;
	v36 =	vadd.f32 v38, v36  }
0xd1: {  	v39 =	vsel vm0, $0x0, v54  }
0xd2: {  	v58 =	vld [tilespmem:$0x4B0];
	vm0 =	vnez.u8 v59;
	v36 =	vadd.f32 v39, v36  }
0xd3: {  	v37 =	vnsel vm0, $0x0, v55  }
0xd4: {  	v60 =	vld [tilespmem:$0x5B0];
	vm0 =	vgt.s32 v19, v35;
	v36 =	vadd.f32 v37, v36  }
0xd5: {  	v38 =	vsel vm0, $0x0, v57  }
0xd6: {  	v61 =	vld [tilespmem:$0x4C0];
	v36 =	vadd.f32 v38, v36  }
0xd7: {  	v39 =	vnsel vm5, $0x0, v58  }
0xd8: {  	v62 =	vld [tilespmem:$0x5C0];
	vm0 =	vgt.s32 v20, v35;
	v36 =	vadd.f32 v39, v36  }
0xd9: {  	v37 =	vsel vm0, $0x0, v60  }
0xda: {  	v63 =	vld [tilespmem:$0x4D0];
	v36 =	vadd.f32 v37, v36  }
0xdb: {  	v38 =	vnsel vm6, $0x0, v61  }
0xdc: {  	v42 =	vld [tilespmem:$0x5D0];
	vm0 =	vgt.s32 v21, v35;
	v36 =	vadd.f32 v38, v36  }
0xdd: {  	v39 =	vsel vm0, $0x0, v62  }
0xde: {  	v43 =	vld [tilespmem:$0x4E0];
	v36 =	vadd.f32 v39, v36  }
0xdf: {  	v37 =	vnsel vm7, $0x0, v63  }
0xe0: {  	v44 =	vld [tilespmem:$0x5E0];
	vm0 =	vgt.s32 v22, v35;
	v36 =	vadd.f32 v37, v36  }
0xe1: {  	v38 =	vsel vm0, $0x0, v42  }
0xe2: {  	v45 =	vld [tilespmem:$0x4F0];
	v36 =	vadd.f32 v38, v36  }
0xe3: {  	v39 =	vnsel vm8, $0x0, v43  }
0xe4: {  	v46 =	vld [tilespmem:$0x5F0];
	vm0 =	vgt.s32 v23, v35;
	v36 =	vadd.f32 v39, v36  }
0xe5: {  	v37 =	vsel vm0, $0x0, v44  }
0xe6: {  	v47 =	vld [tilespmem:$0x500];
	v36 =	vadd.f32 v37, v36  }
0xe7: {  	v38 =	vnsel vm9, $0x0, v45  }
0xe8: {  	v48 =	vld [tilespmem:$0x600];
	vm0 =	vgt.s32 v24, v35;
	v36 =	vadd.f32 v38, v36  }
0xe9: {  	v39 =	vsel vm0, $0x0, v46  }
0xea: {  	v49 =	vld [tilespmem:$0x510];
	v36 =	vadd.f32 v39, v36  }
0xeb: {  	v37 =	vnsel vm10, $0x0, v47  }
0xec: {  	v50 =	vld [tilespmem:$0x610];
	vm0 =	vgt.s32 v25, v35;
	v36 =	vadd.f32 v37, v36  }
0xed: {  	v38 =	vsel vm0, $0x0, v48  }
0xee: {  	v51 =	vld [tilespmem:$0x520];
	v36 =	vadd.f32 v38, v36  }
0xef: {  	v39 =	vnsel vm11, $0x0, v49  }
0xf0: {  	v52 =	vld [tilespmem:$0x620];
	vm0 =	vgt.s32 v26, v35;
	v36 =	vadd.f32 v39, v36  }
0xf1: {  	v37 =	vsel vm0, $0x0, v50  }
0xf2: {  	v53 =	vld [tilespmem:$0x530];
	v36 =	vadd.f32 v37, v36  }
0xf3: {  	v38 =	vnsel vm12, $0x0, v51  }
0xf4: {  	v54 =	vld [tilespmem:$0x630];
	vm0 =	vgt.s32 v27, v35;
	v36 =	vadd.f32 v38, v36  }
0xf5: {  	v39 =	vsel vm0, $0x0, v52  }
0xf6: {  	v55 =	vld [tilespmem:$0x540];
	v36 =	vadd.f32 v39, v36  }
0xf7: {  	v37 =	vnsel vm13, $0x0, v53  }
0xf8: {  	v56 =	vld [tilespmem:$0x640];
	vm0 =	vgt.s32 v28, v35;
	v36 =	vadd.f32 v37, v36  }
0xf9: {  	v38 =	vsel vm0, $0x0, v54  }
0xfa: {  	v57 =	vld [tilespmem:$0x550];
	v36 =	vadd.f32 v38, v36  }
0xfb: {  	v39 =	vnsel vm14, $0x0, v55  }
0xfc: {  	v58 =	vld [tilespmem:$0x650];
	vm0 =	vgt.s32 v29, v35;
	v36 =	vadd.f32 v39, v36  }
0xfd: {  	v37 =	vsel vm0, $0x0, v56  }
0xfe: {  	v59 =	vld [tilespmem:$0x560];
	v36 =	vadd.f32 v37, v36  }
0xff: {  	v38 =	vnsel vm15, $0x0, v57  }
0x100: {  	v60 =	vld [tilespmem:$0x660];
	vm0 =	vgt.s32 v30, v35;
	v36 =	vadd.f32 v38, v36  }
0x101: {  	v39 =	vsel vm0, $0x0, v58  }
0x102: {  	v61 =	vld [tilespmem:$0x570];
	v36 =	vadd.f32 v39, v36  }
0x103: {  	v37 =	vnsel vm3, $0x0, v59  }
0x104: {  	v62 =	vld [tilespmem:$0x670];
	vm0 =	vgt.s32 v31, v35;
	v36 =	vadd.f32 v37, v36  }
0x105: {  	v38 =	vsel vm0, $0x0, v60  }
0x106: {  	v36 =	vadd.f32 v38, v36  }
0x107: {  	v63 =	vnsel vm2, $0x0, v61  }
0x108: {  	vm0 =	vgt.s32 v32, v35;
	v36 =	vadd.f32 v63, v36  }
0x109: {  	v35 =	vsel vm0, $0x0, v62  }
0x10a: {  	v35 =	vadd.f32 v35, v36  }
0x10b: {  	p0 =	sne.s32 s11, $0x1  }
.Ltmp0:
0x10c: {  	[tilespmem:$0x680] =	vst v35;
	(pc) =	sbr.rel @p0 .LBB2_1-.Ltmp0, $4  }
0x10d: {  	[hbm4b:s10+s5] =	stream.linear.scatter [tilespmem:s22], [sflag:$0x2], $0x80, $0x38;
	[tilespmem:$0x700] =	vst v63  }
0x10e: {  	_ =	swait.ge [sflag:s23], $0x80  }
0x10f: {  	[sflag:s23] =	ssyncset.done $0x0  }
0x110: {  	s11 =	sadd.s32 $0xFFFFFFFF, s11;
	[sflag:s23] =	ssyncadd.s32 $0xFFFFFF80  }
0x111: {  	_ =	sfence.sel $0x180000  }
0x112: {  	[bflag:$0x0] =	sbarrier.arrive $0xFFFF  }
0x113: {  	p0 =	sne.s32 s0, $0x0;
	_ =	strace $0x90000047  }
0x114: {  	s0 =	sadd.s32 @!p0 $0x100000, s4;
	[bflag:$0x2] =	sbarrier.arrive $0xFFFF  }
0x115: {  	[sflag:s0] =	ssyncadd.tile.s32 @!p0 $0x1;
	_ =	shalt  }
.Lfunc_end2:
_tile_overlayer_lowered:
.L_overlay_start_2:
0x116: {  	(tag) =	ssettag $0x2  }
0x117: {  	s0 =	rddreg [dreg:$0x0];
	s2 =	stileid.u32  }
0x118: {  	s1 =	rddreg [dreg:$0x1];
	p0 =	sne.s32 s2, $0x0  }
0x119: {  	s3 =	rddreg [dreg:$0x2];
	[bflag:$0x3] =	sbarrier.arrive $0xFFFF;
	s2 =	simm.s32 @!p0 $0x1C02  }
0x11a: {  	[timem:s3], [sflag:s2] =	dma.local @!p0 [hbm:s0], s1  }
0x11b: {  	s0 =	simm.s32 @!p0 $0x2  }
0x11c: {  	_ =	swait.ge @!p0 [sflag:s0], s1  }
0x11d: {  	s1 =	ssub.s32 @!p0 $0x0, s1;
	[sflag:s0] =	ssyncset.done @!p0 $0x0  }
0x11e: {  	[sflag:s0] =	ssyncadd.s32 @!p0 s1  }
0x11f: {  	[bflag:$0x3] =	sbarrier.arrive $0xFFFF  }
0x120: {  	_ =	shalt  }

</sc_bundles>
